<compile_context>
chip_gen: v7x
topology: tpu7x:2x2x1
jax: 0.10.2.dev20260603
libtpu: 0.0.44.dev20260713+nightly
codegen_flags: <defaults>
</compile_context>

<pallas_src>
import functools
import jax
import jax.numpy as jnp
from jax import lax
from jax.experimental import pallas as pl
from jax.experimental.pallas import tpu as pltpu
from jax.experimental.pallas import tpu_sc as plsc

_N = 262144
_NS = 16
_CHUNK = _N // _NS
_L = 16
_U = 8


_GATHER_DNUMS = lax.GatherDimensionNumbers(
    offset_dims=(), collapsed_slice_dims=(0,), start_index_map=(0,)
)


def _lane_shuffle(v, idx):
    return lax.gather(
        v,
        idx[:, None],
        dimension_numbers=_GATHER_DNUMS,
        slice_sizes=(1,),
        mode=lax.GatherScatterMode.PROMISE_IN_BOUNDS,
    )


def _xlane(v, op):
    lanes = lax.iota(jnp.int32, _L)
    for shift in (1, 2, 4, 8):
        v = op(v, _lane_shuffle(v, lanes ^ shift))
    return v


def _make_sc_kernel():
    mesh = plsc.VectorSubcoreMesh(
        core_axis_name="c", subcore_axis_name="s", num_cores=1
    )

    @functools.partial(
        pl.kernel,
        mesh=mesh,
        compiler_params=pltpu.CompilerParams(needs_layout_passes=False),
        out_type=(
            jax.ShapeDtypeStruct((_L,), jnp.float32),
            jax.ShapeDtypeStruct((_NS, _L), jnp.float32),
        ),
        scratch_types=[
            pltpu.VMEM((_CHUNK,), jnp.float32),
            pltpu.VMEM((_CHUNK,), jnp.float32),
            pltpu.VMEM((_CHUNK,), jnp.float32),
            pltpu.VMEM((_L,), jnp.float32),
            pltpu.VMEM((_L,), jnp.float32),
            pltpu.VMEM((_NS, _L), jnp.float32),
            pltpu.VMEM((_L,), jnp.float32),
        ],
    )
    def ghm_sc(pred_hbm, target_hbm, dens_hbm, out_hbm, shared,
               p_v, t_v, g_v, tab_v, row_v, all_v, out_v):
        sid = lax.axis_index("s")
        base = sid * _CHUNK
        pltpu.sync_copy(pred_hbm.at[pl.ds(base, _CHUNK)], p_v)
        pltpu.sync_copy(target_hbm.at[pl.ds(base, _CHUNK)], t_v)
        pltpu.sync_copy(dens_hbm, tab_v)

        def body1(i, carry):
            ms = list(carry)
            for u in range(_U):
                off = (i * _U + u) * _L
                pv = p_v[pl.ds(off, _L)]
                tv = t_v[pl.ds(off, _L)]
                g = jnp.abs(pv - tv)
                g_v[pl.ds(off, _L)] = g
                ms[u] = jnp.maximum(ms[u], g)
            return tuple(ms)

        zeros = jnp.zeros((_L,), jnp.float32)
        ms = lax.fori_loop(0, _CHUNK // (_L * _U), body1, (zeros,) * _U)
        m = ms[0]
        for u in range(1, _U):
            m = jnp.maximum(m, ms[u])

        row_v[...] = m
        pltpu.sync_copy(row_v, shared.at[sid])
        plsc.subcore_barrier()
        pltpu.sync_copy(shared, all_v)
        m2 = zeros
        for r in range(_NS):
            m2 = jnp.maximum(m2, all_v[r, :])
        gmax = _xlane(m2, jnp.maximum)
        plsc.subcore_barrier()

        tab_v[...] = 1.0 / (tab_v[...] + 1e-6)

        nine = jnp.float32(9.0)

        def body2(i, carry):
            accs = list(carry)
            for u in range(_U):
                off = (i * _U + u) * _L
                g = g_v[pl.ds(off, _L)]
                scaled = g / gmax * nine
                idx = jnp.clip(scaled.astype(jnp.int32), 0, 9)
                w = plsc.load_gather(tab_v, [idx])
                accs[u] = accs[u] + w * g * g
            return tuple(accs)

        accs = lax.fori_loop(0, _CHUNK // (_L * _U), body2, (zeros,) * _U)
        acc = accs[0]
        for u in range(1, _U):
            acc = acc + accs[u]

        row_v[...] = acc
        pltpu.sync_copy(row_v, shared.at[sid])
        plsc.subcore_barrier()

        @pl.when(sid == 0)
        def _():
            pltpu.sync_copy(shared, all_v)
            tot = jnp.zeros((_L,), jnp.float32)
            for r in range(_NS):
                tot = tot + all_v[r, :]
            tot = _xlane(tot, jnp.add)
            out_v[...] = tot * (1.0 / _N)
            pltpu.sync_copy(out_v, out_hbm)

    return ghm_sc


_GHM_SC = _make_sc_kernel()


def kernel(pred, target, gradient_hist, grad_density):
    del gradient_hist
    dens16 = jnp.pad(grad_density, (0, _L - grad_density.shape[0]))
    out, _ = _GHM_SC(pred, target, dens16)
    return out[0]

# --- scband reference (transcript-rebuilt; emitter-appended) ---
"""Pipeline reference for scband-ghmcloss-30751965839586 (READ-ONLY COPY).

The authoritative reference and input builder live on the scoring server;
editing this copy changes nothing except your own understanding.
"""

import jax, jax.numpy as jnp
import numpy as np


def setup_inputs(seed: int = 0) -> dict:
    key = jax.random.key(seed)
    k1, k2 = jax.random.split(key)
    N = 262144
    bins = 10
    pred = jax.random.normal(k1, (N,), dtype=jnp.float32)
    target = jax.random.normal(k2, (N,), dtype=jnp.float32)
    # registered buffers from __init__
    gradient_hist = jnp.zeros((bins,), dtype=jnp.float32)
    grad_density = jnp.ones((bins,), dtype=jnp.float32)
    return {"pred": pred, "target": target, "gradient_hist": gradient_hist, "grad_density": grad_density}


def reference(pred, target, gradient_hist, grad_density):
    bins = grad_density.shape[0]
    # gradient = |pred - target|, detached
    gradient = jax.lax.stop_gradient(jnp.abs(pred - target))
    bin_indices = (gradient / gradient.max() * (bins - 1)).astype(jnp.int32)
    bin_indices = jnp.clip(bin_indices, 0, bins - 1)
    # per-element weight = 1 / (grad_density[bin_idx] + 1e-6)  (vectorized gather
    # replacing the original per-element Python loop)
    weights = 1.0 / (jnp.take(grad_density, bin_indices) + 1e-06)
    # buffer updates (stateful in torch; computed here for faithfulness,
    # they do not affect the returned loss of this call)
    new_hist = gradient_hist + jnp.bincount(bin_indices, length=bins).astype(jnp.float32)
    new_density = new_hist / new_hist.sum()
    del new_density
    mse = (pred - target) ** 2
    loss = (weights * mse).mean()
    return loss

if __name__ == "__main__":
    import jax
    _d = setup_inputs()
    print(jax.jit(kernel)(*tuple(_d.values())))

</pallas_src>

<mosaic_0001>
#map = affine_map<(d0, d1) -> (0)>
#map1 = affine_map<(d0, d1) -> (0, 0)>
module attributes {stable_mosaic.version = 14 : i64} {
  func.func @ghm_sc(%arg0: i32, %arg1: i32, %arg2: memref<262144xf32, #tpu.memory_space<hbm>>, %arg3: memref<262144xf32, #tpu.memory_space<hbm>>, %arg4: memref<16xf32, #tpu.memory_space<hbm>>, %arg5: memref<16xf32, #tpu.memory_space<hbm>>, %arg6: memref<16x16xf32, #tpu.memory_space<hbm>>, %arg7: memref<16384xf32, #tpu.memory_space<vmem>>, %arg8: memref<16384xf32, #tpu.memory_space<vmem>>, %arg9: memref<16384xf32, #tpu.memory_space<vmem>>, %arg10: memref<16xf32, #tpu.memory_space<vmem>>, %arg11: memref<16xf32, #tpu.memory_space<vmem>>, %arg12: memref<16x16xf32, #tpu.memory_space<vmem>>, %arg13: memref<16xf32, #tpu.memory_space<vmem>>) attributes {dimension_semantics = [#tpu.dimension_semantics<core_parallel>, #tpu.dimension_semantics<subcore_parallel>], iteration_bounds = array<i64: 1, 16>, scalar_prefetch = 0 : i64, scratch_operands = 7 : i64, tpu.core_type = #tpu.core_type<sc_vector_subcore>, window_params = [{transform_indices = #map}, {transform_indices = #map}, {transform_indices = #map}, {transform_indices = #map}, {transform_indices = #map1}]} {
    %mul3A = arith.constant 16384 : i32
    %mul3A_0 = arith.muli %arg1, %mul3A : i32
    "tpu.region"() ({
      %run_scoped3A = tpu.sem_alloc : memref<!tpu.dma_semaphore, #tpu.memory_space<semaphore_mem>>
      %dma_start3A = tpu.memref_slice %arg2[%mul3A_0] : memref<262144xf32, #tpu.memory_space<hbm>> -> memref<16384xf32, #tpu.memory_space<hbm>>
      %dma_start3A_147 = tpu.memref_slice %arg2[%mul3A_0] : memref<262144xf32, #tpu.memory_space<hbm>> -> memref<16384xf32, #tpu.memory_space<hbm>>
      tpu.enqueue_dma source(%dma_start3A_147 : memref<16384xf32, #tpu.memory_space<hbm>>) target(%arg7 : memref<16384xf32, #tpu.memory_space<vmem>>) target_semaphore(%run_scoped3A : memref<!tpu.dma_semaphore, #tpu.memory_space<semaphore_mem>>)
      %dma_wait3A = tpu.memref_slice %arg2[%mul3A_0] : memref<262144xf32, #tpu.memory_space<hbm>> -> memref<16384xf32, #tpu.memory_space<hbm>>
      %dma_wait3A_148 = tpu.memref_slice %arg2[%mul3A_0] : memref<262144xf32, #tpu.memory_space<hbm>> -> memref<16384xf32, #tpu.memory_space<hbm>>
      tpu.wait_dma2 semaphore(%run_scoped3A : memref<!tpu.dma_semaphore, #tpu.memory_space<semaphore_mem>>) src(%dma_wait3A_148 : memref<16384xf32, #tpu.memory_space<hbm>>) dst(%arg7 : memref<16384xf32, #tpu.memory_space<vmem>>)
      tpu.yield
    }) : () -> ()
    "tpu.region"() ({
      %run_scoped3A = tpu.sem_alloc : memref<!tpu.dma_semaphore, #tpu.memory_space<semaphore_mem>>
      %dma_start3A = tpu.memref_slice %arg3[%mul3A_0] : memref<262144xf32, #tpu.memory_space<hbm>> -> memref<16384xf32, #tpu.memory_space<hbm>>
      %dma_start3A_147 = tpu.memref_slice %arg3[%mul3A_0] : memref<262144xf32, #tpu.memory_space<hbm>> -> memref<16384xf32, #tpu.memory_space<hbm>>
      tpu.enqueue_dma source(%dma_start3A_147 : memref<16384xf32, #tpu.memory_space<hbm>>) target(%arg8 : memref<16384xf32, #tpu.memory_space<vmem>>) target_semaphore(%run_scoped3A : memref<!tpu.dma_semaphore, #tpu.memory_space<semaphore_mem>>)
      %dma_wait3A = tpu.memref_slice %arg3[%mul3A_0] : memref<262144xf32, #tpu.memory_space<hbm>> -> memref<16384xf32, #tpu.memory_space<hbm>>
      %dma_wait3A_148 = tpu.memref_slice %arg3[%mul3A_0] : memref<262144xf32, #tpu.memory_space<hbm>> -> memref<16384xf32, #tpu.memory_space<hbm>>
      tpu.wait_dma2 semaphore(%run_scoped3A : memref<!tpu.dma_semaphore, #tpu.memory_space<semaphore_mem>>) src(%dma_wait3A_148 : memref<16384xf32, #tpu.memory_space<hbm>>) dst(%arg8 : memref<16384xf32, #tpu.memory_space<vmem>>)
      tpu.yield
    }) : () -> ()
    "tpu.region"() ({
      %run_scoped3A = tpu.sem_alloc : memref<!tpu.dma_semaphore, #tpu.memory_space<semaphore_mem>>
      tpu.enqueue_dma source(%arg4 : memref<16xf32, #tpu.memory_space<hbm>>) target(%arg10 : memref<16xf32, #tpu.memory_space<vmem>>) target_semaphore(%run_scoped3A : memref<!tpu.dma_semaphore, #tpu.memory_space<semaphore_mem>>)
      tpu.wait_dma2 semaphore(%run_scoped3A : memref<!tpu.dma_semaphore, #tpu.memory_space<semaphore_mem>>) src(%arg4 : memref<16xf32, #tpu.memory_space<hbm>>) dst(%arg10 : memref<16xf32, #tpu.memory_space<vmem>>)
      tpu.yield
    }) : () -> ()
    %broadcast_in_dim3A = arith.constant 0.000000e+00 : f32
    %broadcast_in_dim3A_1 = vector.broadcast %broadcast_in_dim3A : f32 to vector<16xf32>
    %scan3A = arith.constant 0 : i32
    %scan3A_2 = arith.constant 128 : i32
    %scan3A_3 = arith.addi %scan3A, %scan3A_2 : i32
    %scan3A_4 = arith.constant 1 : i32
    %scan3A_5:8 = scf.for %scan3A_147 = %scan3A to %scan3A_3 step %scan3A_4 iter_args(%scan3A_148 = %broadcast_in_dim3A_1, %scan3A_149 = %broadcast_in_dim3A_1, %scan3A_150 = %broadcast_in_dim3A_1, %scan3A_151 = %broadcast_in_dim3A_1, %scan3A_152 = %broadcast_in_dim3A_1, %scan3A_153 = %broadcast_in_dim3A_1, %scan3A_154 = %broadcast_in_dim3A_1, %scan3A_155 = %broadcast_in_dim3A_1) -> (vector<16xf32>, vector<16xf32>, vector<16xf32>, vector<16xf32>, vector<16xf32>, vector<16xf32>, vector<16xf32>, vector<16xf32>)  : i32 {
      %mul3A_156 = arith.constant 8 : i32
      %mul3A_157 = arith.muli %scan3A_147, %mul3A_156 : i32
      %add3A_158 = arith.constant 0 : i32
      %add3A_159 = arith.addi %mul3A_157, %add3A_158 : i32
      %mul3A_160 = arith.constant 16 : i32
      %mul3A_161 = arith.muli %add3A_159, %mul3A_160 : i32
      %get3A_162 = arith.index_cast %mul3A_161 : i32 to index
      %get3A_163 = tpu.vector_load %arg7[%get3A_162] {strides = array<i32>} : memref<16384xf32, #tpu.memory_space<vmem>>, vector<16xf32>,
      %get3A_164 = arith.index_cast %mul3A_161 : i32 to index
      %get3A_165 = tpu.vector_load %arg8[%get3A_164] {strides = array<i32>} : memref<16384xf32, #tpu.memory_space<vmem>>, vector<16xf32>,
      %sub3A = arith.subf %get3A_163, %get3A_165 : vector<16xf32>
      %abs3A = math.absf %sub3A : vector<16xf32>
      %swap3A_166 = arith.index_cast %mul3A_161 : i32 to index
      %swap3A_167 = tpu.vector_load %arg9[%swap3A_166] {strides = array<i32>} : memref<16384xf32, #tpu.memory_space<vmem>>, vector<16xf32>,
      tpu.vector_store %arg9[%swap3A_166], %abs3A {strides = array<i32>} : memref<16384xf32, #tpu.memory_space<vmem>>, vector<16xf32>,
      %max3A_168 = arith.maximumf %scan3A_148, %abs3A : vector<16xf32>
      %mul3A_169 = arith.constant 8 : i32
      %mul3A_170 = arith.muli %scan3A_147, %mul3A_169 : i32
      %add3A_171 = arith.constant 1 : i32
      %add3A_172 = arith.addi %mul3A_170, %add3A_171 : i32
      %mul3A_173 = arith.constant 16 : i32
      %mul3A_174 = arith.muli %add3A_172, %mul3A_173 : i32
      %get3A_175 = arith.index_cast %mul3A_174 : i32 to index
      %get3A_176 = tpu.vector_load %arg7[%get3A_175] {strides = array<i32>} : memref<16384xf32, #tpu.memory_space<vmem>>, vector<16xf32>,
      %get3A_177 = arith.index_cast %mul3A_174 : i32 to index
      %get3A_178 = tpu.vector_load %arg8[%get3A_177] {strides = array<i32>} : memref<16384xf32, #tpu.memory_space<vmem>>, vector<16xf32>,
      %sub3A_179 = arith.subf %get3A_176, %get3A_178 : vector<16xf32>
      %abs3A_180 = math.absf %sub3A_179 : vector<16xf32>
      %swap3A_181 = arith.index_cast %mul3A_174 : i32 to index
      %swap3A_182 = tpu.vector_load %arg9[%swap3A_181] {strides = array<i32>} : memref<16384xf32, #tpu.memory_space<vmem>>, vector<16xf32>,
      tpu.vector_store %arg9[%swap3A_181], %abs3A_180 {strides = array<i32>} : memref<16384xf32, #tpu.memory_space<vmem>>, vector<16xf32>,
      %max3A_183 = arith.maximumf %scan3A_149, %abs3A_180 : vector<16xf32>
      %mul3A_184 = arith.constant 8 : i32
      %mul3A_185 = arith.muli %scan3A_147, %mul3A_184 : i32
      %add3A_186 = arith.constant 2 : i32
      %add3A_187 = arith.addi %mul3A_185, %add3A_186 : i32
      %mul3A_188 = arith.constant 16 : i32
      %mul3A_189 = arith.muli %add3A_187, %mul3A_188 : i32
      %get3A_190 = arith.index_cast %mul3A_189 : i32 to index
      %get3A_191 = tpu.vector_load %arg7[%get3A_190] {strides = array<i32>} : memref<16384xf32, #tpu.memory_space<vmem>>, vector<16xf32>,
      %get3A_192 = arith.index_cast %mul3A_189 : i32 to index
      %get3A_193 = tpu.vector_load %arg8[%get3A_192] {strides = array<i32>} : memref<16384xf32, #tpu.memory_space<vmem>>, vector<16xf32>,
      %sub3A_194 = arith.subf %get3A_191, %get3A_193 : vector<16xf32>
      %abs3A_195 = math.absf %sub3A_194 : vector<16xf32>
      %swap3A_196 = arith.index_cast %mul3A_189 : i32 to index
      %swap3A_197 = tpu.vector_load %arg9[%swap3A_196] {strides = array<i32>} : memref<16384xf32, #tpu.memory_space<vmem>>, vector<16xf32>,
      tpu.vector_store %arg9[%swap3A_196], %abs3A_195 {strides = array<i32>} : memref<16384xf32, #tpu.memory_space<vmem>>, vector<16xf32>,
      %max3A_198 = arith.maximumf %scan3A_150, %abs3A_195 : vector<16xf32>
      %mul3A_199 = arith.constant 8 : i32
      %mul3A_200 = arith.muli %scan3A_147, %mul3A_199 : i32
      %add3A_201 = arith.constant 3 : i32
      %add3A_202 = arith.addi %mul3A_200, %add3A_201 : i32
      %mul3A_203 = arith.constant 16 : i32
      %mul3A_204 = arith.muli %add3A_202, %mul3A_203 : i32
      %get3A_205 = arith.index_cast %mul3A_204 : i32 to index
      %get3A_206 = tpu.vector_load %arg7[%get3A_205] {strides = array<i32>} : memref<16384xf32, #tpu.memory_space<vmem>>, vector<16xf32>,
      %get3A_207 = arith.index_cast %mul3A_204 : i32 to index
      %get3A_208 = tpu.vector_load %arg8[%get3A_207] {strides = array<i32>} : memref<16384xf32, #tpu.memory_space<vmem>>, vector<16xf32>,
      %sub3A_209 = arith.subf %get3A_206, %get3A_208 : vector<16xf32>
      %abs3A_210 = math.absf %sub3A_209 : vector<16xf32>
      %swap3A_211 = arith.index_cast %mul3A_204 : i32 to index
      %swap3A_212 = tpu.vector_load %arg9[%swap3A_211] {strides = array<i32>} : memref<16384xf32, #tpu.memory_space<vmem>>, vector<16xf32>,
      tpu.vector_store %arg9[%swap3A_211], %abs3A_210 {strides = array<i32>} : memref<16384xf32, #tpu.memory_space<vmem>>, vector<16xf32>,
      %max3A_213 = arith.maximumf %scan3A_151, %abs3A_210 : vector<16xf32>
      %mul3A_214 = arith.constant 8 : i32
      %mul3A_215 = arith.muli %scan3A_147, %mul3A_214 : i32
      %add3A_216 = arith.constant 4 : i32
      %add3A_217 = arith.addi %mul3A_215, %add3A_216 : i32
      %mul3A_218 = arith.constant 16 : i32
      %mul3A_219 = arith.muli %add3A_217, %mul3A_218 : i32
      %get3A_220 = arith.index_cast %mul3A_219 : i32 to index
      %get3A_221 = tpu.vector_load %arg7[%get3A_220] {strides = array<i32>} : memref<16384xf32, #tpu.memory_space<vmem>>, vector<16xf32>,
      %get3A_222 = arith.index_cast %mul3A_219 : i32 to index
      %get3A_223 = tpu.vector_load %arg8[%get3A_222] {strides = array<i32>} : memref<16384xf32, #tpu.memory_space<vmem>>, vector<16xf32>,
      %sub3A_224 = arith.subf %get3A_221, %get3A_223 : vector<16xf32>
      %abs3A_225 = math.absf %sub3A_224 : vector<16xf32>
      %swap3A_226 = arith.index_cast %mul3A_219 : i32 to index
      %swap3A_227 = tpu.vector_load %arg9[%swap3A_226] {strides = array<i32>} : memref<16384xf32, #tpu.memory_space<vmem>>, vector<16xf32>,
      tpu.vector_store %arg9[%swap3A_226], %abs3A_225 {strides = array<i32>} : memref<16384xf32, #tpu.memory_space<vmem>>, vector<16xf32>,
      %max3A_228 = arith.maximumf %scan3A_152, %abs3A_225 : vector<16xf32>
      %mul3A_229 = arith.constant 8 : i32
      %mul3A_230 = arith.muli %scan3A_147, %mul3A_229 : i32
      %add3A_231 = arith.constant 5 : i32
      %add3A_232 = arith.addi %mul3A_230, %add3A_231 : i32
      %mul3A_233 = arith.constant 16 : i32
      %mul3A_234 = arith.muli %add3A_232, %mul3A_233 : i32
      %get3A_235 = arith.index_cast %mul3A_234 : i32 to index
      %get3A_236 = tpu.vector_load %arg7[%get3A_235] {strides = array<i32>} : memref<16384xf32, #tpu.memory_space<vmem>>, vector<16xf32>,
      %get3A_237 = arith.index_cast %mul3A_234 : i32 to index
      %get3A_238 = tpu.vector_load %arg8[%get3A_237] {strides = array<i32>} : memref<16384xf32, #tpu.memory_space<vmem>>, vector<16xf32>,
      %sub3A_239 = arith.subf %get3A_236, %get3A_238 : vector<16xf32>
      %abs3A_240 = math.absf %sub3A_239 : vector<16xf32>
      %swap3A_241 = arith.index_cast %mul3A_234 : i32 to index
      %swap3A_242 = tpu.vector_load %arg9[%swap3A_241] {strides = array<i32>} : memref<16384xf32, #tpu.memory_space<vmem>>, vector<16xf32>,
      tpu.vector_store %arg9[%swap3A_241], %abs3A_240 {strides = array<i32>} : memref<16384xf32, #tpu.memory_space<vmem>>, vector<16xf32>,
      %max3A_243 = arith.maximumf %scan3A_153, %abs3A_240 : vector<16xf32>
      %mul3A_244 = arith.constant 8 : i32
      %mul3A_245 = arith.muli %scan3A_147, %mul3A_244 : i32
      %add3A_246 = arith.constant 6 : i32
      %add3A_247 = arith.addi %mul3A_245, %add3A_246 : i32
      %mul3A_248 = arith.constant 16 : i32
      %mul3A_249 = arith.muli %add3A_247, %mul3A_248 : i32
      %get3A_250 = arith.index_cast %mul3A_249 : i32 to index
      %get3A_251 = tpu.vector_load %arg7[%get3A_250] {strides = array<i32>} : memref<16384xf32, #tpu.memory_space<vmem>>, vector<16xf32>,
      %get3A_252 = arith.index_cast %mul3A_249 : i32 to index
      %get3A_253 = tpu.vector_load %arg8[%get3A_252] {strides = array<i32>} : memref<16384xf32, #tpu.memory_space<vmem>>, vector<16xf32>,
      %sub3A_254 = arith.subf %get3A_251, %get3A_253 : vector<16xf32>
      %abs3A_255 = math.absf %sub3A_254 : vector<16xf32>
      %swap3A_256 = arith.index_cast %mul3A_249 : i32 to index
      %swap3A_257 = tpu.vector_load %arg9[%swap3A_256] {strides = array<i32>} : memref<16384xf32, #tpu.memory_space<vmem>>, vector<16xf32>,
      tpu.vector_store %arg9[%swap3A_256], %abs3A_255 {strides = array<i32>} : memref<16384xf32, #tpu.memory_space<vmem>>, vector<16xf32>,
      %max3A_258 = arith.maximumf %scan3A_154, %abs3A_255 : vector<16xf32>
      %mul3A_259 = arith.constant 8 : i32
      %mul3A_260 = arith.muli %scan3A_147, %mul3A_259 : i32
      %add3A_261 = arith.constant 7 : i32
      %add3A_262 = arith.addi %mul3A_260, %add3A_261 : i32
      %mul3A_263 = arith.constant 16 : i32
      %mul3A_264 = arith.muli %add3A_262, %mul3A_263 : i32
      %get3A_265 = arith.index_cast %mul3A_264 : i32 to index
      %get3A_266 = tpu.vector_load %arg7[%get3A_265] {strides = array<i32>} : memref<16384xf32, #tpu.memory_space<vmem>>, vector<16xf32>,
      %get3A_267 = arith.index_cast %mul3A_264 : i32 to index
      %get3A_268 = tpu.vector_load %arg8[%get3A_267] {strides = array<i32>} : memref<16384xf32, #tpu.memory_space<vmem>>, vector<16xf32>,
      %sub3A_269 = arith.subf %get3A_266, %get3A_268 : vector<16xf32>
      %abs3A_270 = math.absf %sub3A_269 : vector<16xf32>
      %swap3A_271 = arith.index_cast %mul3A_264 : i32 to index
      %swap3A_272 = tpu.vector_load %arg9[%swap3A_271] {strides = array<i32>} : memref<16384xf32, #tpu.memory_space<vmem>>, vector<16xf32>,
      tpu.vector_store %arg9[%swap3A_271], %abs3A_270 {strides = array<i32>} : memref<16384xf32, #tpu.memory_space<vmem>>, vector<16xf32>,
      %max3A_273 = arith.maximumf %scan3A_155, %abs3A_270 : vector<16xf32>
      scf.yield %max3A_168, %max3A_183, %max3A_198, %max3A_213, %max3A_228, %max3A_243, %max3A_258, %max3A_273 : vector<16xf32>, vector<16xf32>, vector<16xf32>, vector<16xf32>, vector<16xf32>, vector<16xf32>, vector<16xf32>, vector<16xf32>
    }
    %scan3A_6 = arith.constant 128 : i32
    %max3A = arith.maximumf %scan3A_5#0, %scan3A_5#1 : vector<16xf32>
    %max3A_7 = arith.maximumf %max3A, %scan3A_5#2 : vector<16xf32>
    %max3A_8 = arith.maximumf %max3A_7, %scan3A_5#3 : vector<16xf32>
    %max3A_9 = arith.maximumf %max3A_8, %scan3A_5#4 : vector<16xf32>
    %max3A_10 = arith.maximumf %max3A_9, %scan3A_5#5 : vector<16xf32>
    %max3A_11 = arith.maximumf %max3A_10, %scan3A_5#6 : vector<16xf32>
    %max3A_12 = arith.maximumf %max3A_11, %scan3A_5#7 : vector<16xf32>
    %swap3A = arith.constant 0 : index
    %swap3A_13 = tpu.vector_load %arg11[%swap3A] {strides = array<i32>} : memref<16xf32, #tpu.memory_space<vmem>>, vector<16xf32>,
    tpu.vector_store %arg11[%swap3A], %max3A_12 {strides = array<i32>} : memref<16xf32, #tpu.memory_space<vmem>>, vector<16xf32>,
    "tpu.region"() ({
      %run_scoped3A = tpu.sem_alloc : memref<!tpu.dma_semaphore, #tpu.memory_space<semaphore_mem>>
      %dma_start3A = arith.constant 0 : i32
      %dma_start3A_147 = tpu.memref_slice %arg6[%arg1, %dma_start3A] : memref<16x16xf32, #tpu.memory_space<hbm>> -> memref<1x16xf32, #tpu.memory_space<hbm>>
      %dma_start3A_148 = tpu.memref_squeeze %dma_start3A_147 : memref<1x16xf32, #tpu.memory_space<hbm>> -> memref<16xf32, #tpu.memory_space<hbm>>
      %dma_start3A_149 = arith.constant 0 : i32
      %dma_start3A_150 = tpu.memref_slice %arg6[%arg1, %dma_start3A_149] : memref<16x16xf32, #tpu.memory_space<hbm>> -> memref<1x16xf32, #tpu.memory_space<hbm>>
      %dma_start3A_151 = tpu.memref_squeeze %dma_start3A_150 : memref<1x16xf32, #tpu.memory_space<hbm>> -> memref<16xf32, #tpu.memory_space<hbm>>
      tpu.enqueue_dma source(%arg11 : memref<16xf32, #tpu.memory_space<vmem>>) target(%dma_start3A_151 : memref<16xf32, #tpu.memory_space<hbm>>) target_semaphore(%run_scoped3A : memref<!tpu.dma_semaphore, #tpu.memory_space<semaphore_mem>>)
      %dma_wait3A = arith.constant 0 : i32
      %dma_wait3A_152 = tpu.memref_slice %arg6[%arg1, %dma_wait3A] : memref<16x16xf32, #tpu.memory_space<hbm>> -> memref<1x16xf32, #tpu.memory_space<hbm>>
      %dma_wait3A_153 = tpu.memref_squeeze %dma_wait3A_152 : memref<1x16xf32, #tpu.memory_space<hbm>> -> memref<16xf32, #tpu.memory_space<hbm>>
      %dma_wait3A_154 = arith.constant 0 : i32
      %dma_wait3A_155 = tpu.memref_slice %arg6[%arg1, %dma_wait3A_154] : memref<16x16xf32, #tpu.memory_space<hbm>> -> memref<1x16xf32, #tpu.memory_space<hbm>>
      %dma_wait3A_156 = tpu.memref_squeeze %dma_wait3A_155 : memref<1x16xf32, #tpu.memory_space<hbm>> -> memref<16xf32, #tpu.memory_space<hbm>>
      tpu.wait_dma2 semaphore(%run_scoped3A : memref<!tpu.dma_semaphore, #tpu.memory_space<semaphore_mem>>) src(%arg11 : memref<16xf32, #tpu.memory_space<vmem>>) dst(%dma_wait3A_156 : memref<16xf32, #tpu.memory_space<hbm>>)
      tpu.yield
    }) : () -> ()
    %barrier3A = arith.constant 0 : index
    tpu.barrier barrier_id(%barrier3A)
    "tpu.region"() ({
      %run_scoped3A = tpu.sem_alloc : memref<!tpu.dma_semaphore, #tpu.memory_space<semaphore_mem>>
      tpu.enqueue_dma source(%arg6 : memref<16x16xf32, #tpu.memory_space<hbm>>) target(%arg12 : memref<16x16xf32, #tpu.memory_space<vmem>>) target_semaphore(%run_scoped3A : memref<!tpu.dma_semaphore, #tpu.memory_space<semaphore_mem>>)
      tpu.wait_dma2 semaphore(%run_scoped3A : memref<!tpu.dma_semaphore, #tpu.memory_space<semaphore_mem>>) src(%arg6 : memref<16x16xf32, #tpu.memory_space<hbm>>) dst(%arg12 : memref<16x16xf32, #tpu.memory_space<vmem>>)
      tpu.yield
    }) : () -> ()
    %get3A = arith.constant 0 : i32
    %get3A_14 = arith.index_cast %get3A : i32 to index
    %get3A_15 = arith.constant 0 : index
    %get3A_16 = tpu.vector_load %arg12[%get3A_14, %get3A_15] {strides = array<i32>} : memref<16x16xf32, #tpu.memory_space<vmem>>, vector<16xf32>,
    %max3A_17 = arith.maximumf %broadcast_in_dim3A_1, %get3A_16 : vector<16xf32>
    %get3A_18 = arith.constant 1 : i32
    %get3A_19 = arith.index_cast %get3A_18 : i32 to index
    %get3A_20 = arith.constant 0 : index
    %get3A_21 = tpu.vector_load %arg12[%get3A_19, %get3A_20] {strides = array<i32>} : memref<16x16xf32, #tpu.memory_space<vmem>>, vector<16xf32>,
    %max3A_22 = arith.maximumf %max3A_17, %get3A_21 : vector<16xf32>
    %get3A_23 = arith.constant 2 : i32
    %get3A_24 = arith.index_cast %get3A_23 : i32 to index
    %get3A_25 = arith.constant 0 : index
    %get3A_26 = tpu.vector_load %arg12[%get3A_24, %get3A_25] {strides = array<i32>} : memref<16x16xf32, #tpu.memory_space<vmem>>, vector<16xf32>,
    %max3A_27 = arith.maximumf %max3A_22, %get3A_26 : vector<16xf32>
    %get3A_28 = arith.constant 3 : i32
    %get3A_29 = arith.index_cast %get3A_28 : i32 to index
    %get3A_30 = arith.constant 0 : index
    %get3A_31 = tpu.vector_load %arg12[%get3A_29, %get3A_30] {strides = array<i32>} : memref<16x16xf32, #tpu.memory_space<vmem>>, vector<16xf32>,
    %max3A_32 = arith.maximumf %max3A_27, %get3A_31 : vector<16xf32>
    %get3A_33 = arith.constant 4 : i32
    %get3A_34 = arith.index_cast %get3A_33 : i32 to index
    %get3A_35 = arith.constant 0 : index
    %get3A_36 = tpu.vector_load %arg12[%get3A_34, %get3A_35] {strides = array<i32>} : memref<16x16xf32, #tpu.memory_space<vmem>>, vector<16xf32>,
    %max3A_37 = arith.maximumf %max3A_32, %get3A_36 : vector<16xf32>
    %get3A_38 = arith.constant 5 : i32
    %get3A_39 = arith.index_cast %get3A_38 : i32 to index
    %get3A_40 = arith.constant 0 : index
    %get3A_41 = tpu.vector_load %arg12[%get3A_39, %get3A_40] {strides = array<i32>} : memref<16x16xf32, #tpu.memory_space<vmem>>, vector<16xf32>,
    %max3A_42 = arith.maximumf %max3A_37, %get3A_41 : vector<16xf32>
    %get3A_43 = arith.constant 6 : i32
    %get3A_44 = arith.index_cast %get3A_43 : i32 to index
    %get3A_45 = arith.constant 0 : index
    %get3A_46 = tpu.vector_load %arg12[%get3A_44, %get3A_45] {strides = array<i32>} : memref<16x16xf32, #tpu.memory_space<vmem>>, vector<16xf32>,
    %max3A_47 = arith.maximumf %max3A_42, %get3A_46 : vector<16xf32>
    %get3A_48 = arith.constant 7 : i32
    %get3A_49 = arith.index_cast %get3A_48 : i32 to index
    %get3A_50 = arith.constant 0 : index
    %get3A_51 = tpu.vector_load %arg12[%get3A_49, %get3A_50] {strides = array<i32>} : memref<16x16xf32, #tpu.memory_space<vmem>>, vector<16xf32>,
    %max3A_52 = arith.maximumf %max3A_47, %get3A_51 : vector<16xf32>
    %get3A_53 = arith.constant 8 : i32
    %get3A_54 = arith.index_cast %get3A_53 : i32 to index
    %get3A_55 = arith.constant 0 : index
    %get3A_56 = tpu.vector_load %arg12[%get3A_54, %get3A_55] {strides = array<i32>} : memref<16x16xf32, #tpu.memory_space<vmem>>, vector<16xf32>,
    %max3A_57 = arith.maximumf %max3A_52, %get3A_56 : vector<16xf32>
    %get3A_58 = arith.constant 9 : i32
    %get3A_59 = arith.index_cast %get3A_58 : i32 to index
    %get3A_60 = arith.constant 0 : index
    %get3A_61 = tpu.vector_load %arg12[%get3A_59, %get3A_60] {strides = array<i32>} : memref<16x16xf32, #tpu.memory_space<vmem>>, vector<16xf32>,
    %max3A_62 = arith.maximumf %max3A_57, %get3A_61 : vector<16xf32>
    %get3A_63 = arith.constant 10 : i32
    %get3A_64 = arith.index_cast %get3A_63 : i32 to index
    %get3A_65 = arith.constant 0 : index
    %get3A_66 = tpu.vector_load %arg12[%get3A_64, %get3A_65] {strides = array<i32>} : memref<16x16xf32, #tpu.memory_space<vmem>>, vector<16xf32>,
    %max3A_67 = arith.maximumf %max3A_62, %get3A_66 : vector<16xf32>
    %get3A_68 = arith.constant 11 : i32
    %get3A_69 = arith.index_cast %get3A_68 : i32 to index
    %get3A_70 = arith.constant 0 : index
    %get3A_71 = tpu.vector_load %arg12[%get3A_69, %get3A_70] {strides = array<i32>} : memref<16x16xf32, #tpu.memory_space<vmem>>, vector<16xf32>,
    %max3A_72 = arith.maximumf %max3A_67, %get3A_71 : vector<16xf32>
    %get3A_73 = arith.constant 12 : i32
    %get3A_74 = arith.index_cast %get3A_73 : i32 to index
    %get3A_75 = arith.constant 0 : index
    %get3A_76 = tpu.vector_load %arg12[%get3A_74, %get3A_75] {strides = array<i32>} : memref<16x16xf32, #tpu.memory_space<vmem>>, vector<16xf32>,
    %max3A_77 = arith.maximumf %max3A_72, %get3A_76 : vector<16xf32>
    %get3A_78 = arith.constant 13 : i32
    %get3A_79 = arith.index_cast %get3A_78 : i32 to index
    %get3A_80 = arith.constant 0 : index
    %get3A_81 = tpu.vector_load %arg12[%get3A_79, %get3A_80] {strides = array<i32>} : memref<16x16xf32, #tpu.memory_space<vmem>>, vector<16xf32>,
    %max3A_82 = arith.maximumf %max3A_77, %get3A_81 : vector<16xf32>
    %get3A_83 = arith.constant 14 : i32
    %get3A_84 = arith.index_cast %get3A_83 : i32 to index
    %get3A_85 = arith.constant 0 : index
    %get3A_86 = tpu.vector_load %arg12[%get3A_84, %get3A_85] {strides = array<i32>} : memref<16x16xf32, #tpu.memory_space<vmem>>, vector<16xf32>,
    %max3A_87 = arith.maximumf %max3A_82, %get3A_86 : vector<16xf32>
    %get3A_88 = arith.constant 15 : i32
    %get3A_89 = arith.index_cast %get3A_88 : i32 to index
    %get3A_90 = arith.constant 0 : index
    %get3A_91 = tpu.vector_load %arg12[%get3A_89, %get3A_90] {strides = array<i32>} : memref<16x16xf32, #tpu.memory_space<vmem>>, vector<16xf32>,
    %max3A_92 = arith.maximumf %max3A_87, %get3A_91 : vector<16xf32>
    %iota3A = tpu.iota {dimensions = array<i32: 0>} : vector<16xi32>
    %xor3A = arith.constant 1 : i32
    %xor3A_93 = vector.broadcast %xor3A : i32 to vector<16xi32>
    %xor3A_94 = arith.xori %iota3A, %xor3A_93 : vector<16xi32>
    %broadcast_in_dim3A_95 = vector.shape_cast %xor3A_94 : vector<16xi32> to vector<16x1xi32>
    %gather3A = vector.shape_cast %broadcast_in_dim3A_95 : vector<16x1xi32> to vector<16xi32>
    %gather3A_96 = tpu.dynamic_gather %max3A_92[%gather3A] in [0] : vector<16xf32>, vector<16xi32> -> vector<16xf32>
    %max3A_97 = arith.maximumf %max3A_92, %gather3A_96 : vector<16xf32>
    %xor3A_98 = arith.constant 2 : i32
    %xor3A_99 = vector.broadcast %xor3A_98 : i32 to vector<16xi32>
    %xor3A_100 = arith.xori %iota3A, %xor3A_99 : vector<16xi32>
    %broadcast_in_dim3A_101 = vector.shape_cast %xor3A_100 : vector<16xi32> to vector<16x1xi32>
    %gather3A_102 = vector.shape_cast %broadcast_in_dim3A_101 : vector<16x1xi32> to vector<16xi32>
    %gather3A_103 = tpu.dynamic_gather %max3A_97[%gather3A_102] in [0] : vector<16xf32>, vector<16xi32> -> vector<16xf32>
    %max3A_104 = arith.maximumf %max3A_97, %gather3A_103 : vector<16xf32>
    %xor3A_105 = arith.constant 4 : i32
    %xor3A_106 = vector.broadcast %xor3A_105 : i32 to vector<16xi32>
    %xor3A_107 = arith.xori %iota3A, %xor3A_106 : vector<16xi32>
    %broadcast_in_dim3A_108 = vector.shape_cast %xor3A_107 : vector<16xi32> to vector<16x1xi32>
    %gather3A_109 = vector.shape_cast %broadcast_in_dim3A_108 : vector<16x1xi32> to vector<16xi32>
    %gather3A_110 = tpu.dynamic_gather %max3A_104[%gather3A_109] in [0] : vector<16xf32>, vector<16xi32> -> vector<16xf32>
    %max3A_111 = arith.maximumf %max3A_104, %gather3A_110 : vector<16xf32>
    %xor3A_112 = arith.constant 8 : i32
    %xor3A_113 = vector.broadcast %xor3A_112 : i32 to vector<16xi32>
    %xor3A_114 = arith.xori %iota3A, %xor3A_113 : vector<16xi32>
    %broadcast_in_dim3A_115 = vector.shape_cast %xor3A_114 : vector<16xi32> to vector<16x1xi32>
    %gather3A_116 = vector.shape_cast %broadcast_in_dim3A_115 : vector<16x1xi32> to vector<16xi32>
    %gather3A_117 = tpu.dynamic_gather %max3A_111[%gather3A_116] in [0] : vector<16xf32>, vector<16xi32> -> vector<16xf32>
    %max3A_118 = arith.maximumf %max3A_111, %gather3A_117 : vector<16xf32>
    %barrier3A_119 = arith.constant 0 : index
    tpu.barrier barrier_id(%barrier3A_119)
    %get3A_120 = arith.constant 0 : index
    %get3A_121 = tpu.vector_load %arg10[%get3A_120] {strides = array<i32>} : memref<16xf32, #tpu.memory_space<vmem>>, vector<16xf32>,
    %add3A = arith.constant 9.99999997E-7 : f32
    %add3A_122 = vector.broadcast %add3A : f32 to vector<16xf32>
    %add3A_123 = arith.addf %get3A_121, %add3A_122 : vector<16xf32>
    %div3A = arith.constant 1.000000e+00 : f32
    %div3A_124 = vector.broadcast %div3A : f32 to vector<16xf32>
    %div3A_125 = arith.divf %div3A_124, %add3A_123 : vector<16xf32>
    %swap3A_126 = arith.constant 0 : index
    %swap3A_127 = tpu.vector_load %arg10[%swap3A_126] {strides = array<i32>} : memref<16xf32, #tpu.memory_space<vmem>>, vector<16xf32>,
    tpu.vector_store %arg10[%swap3A_126], %div3A_125 {strides = array<i32>} : memref<16xf32, #tpu.memory_space<vmem>>, vector<16xf32>,
    %scan3A_128 = arith.constant 9.000000e+00 : f32
    %scan3A_129 = arith.constant 0 : i32
    %scan3A_130 = arith.constant 128 : i32
    %scan3A_131 = arith.addi %scan3A_129, %scan3A_130 : i32
    %scan3A_132 = arith.constant 1 : i32
    %scan3A_133:8 = scf.for %scan3A_147 = %scan3A_129 to %scan3A_131 step %scan3A_132 iter_args(%scan3A_148 = %broadcast_in_dim3A_1, %scan3A_149 = %broadcast_in_dim3A_1, %scan3A_150 = %broadcast_in_dim3A_1, %scan3A_151 = %broadcast_in_dim3A_1, %scan3A_152 = %broadcast_in_dim3A_1, %scan3A_153 = %broadcast_in_dim3A_1, %scan3A_154 = %broadcast_in_dim3A_1, %scan3A_155 = %broadcast_in_dim3A_1) -> (vector<16xf32>, vector<16xf32>, vector<16xf32>, vector<16xf32>, vector<16xf32>, vector<16xf32>, vector<16xf32>, vector<16xf32>)  : i32 {
      %mul3A_156 = arith.constant 8 : i32
      %mul3A_157 = arith.muli %scan3A_147, %mul3A_156 : i32
      %add3A_158 = arith.constant 0 : i32
      %add3A_159 = arith.addi %mul3A_157, %add3A_158 : i32
      %mul3A_160 = arith.constant 16 : i32
      %mul3A_161 = arith.muli %add3A_159, %mul3A_160 : i32
      %get3A_162 = arith.index_cast %mul3A_161 : i32 to index
      %get3A_163 = tpu.vector_load %arg9[%get3A_162] {strides = array<i32>} : memref<16384xf32, #tpu.memory_space<vmem>>, vector<16xf32>,
      %div3A_164 = arith.divf %get3A_163, %max3A_118 : vector<16xf32>
      %mul3A_165 = vector.broadcast %scan3A_128 : f32 to vector<16xf32>
      %mul3A_166 = arith.mulf %div3A_164, %mul3A_165 : vector<16xf32>
      %convert_element_type3A_167 = arith.fptosi %mul3A_166 : vector<16xf32> to vector<16xi32>
      %jit3A = arith.constant 0 : i32
      %jit3A_168 = arith.constant 9 : i32
      %max3A_169 = vector.broadcast %jit3A : i32 to vector<16xi32>
      %max3A_170 = arith.maxsi %max3A_169, %convert_element_type3A_167 : vector<16xi32>
      %min3A = vector.broadcast %jit3A_168 : i32 to vector<16xi32>
      %min3A_171 = arith.minsi %min3A, %max3A_170 : vector<16xi32>
      %gather3A_172 = tpu.vector_load_idx %arg10[%min3A_171] : memref<16xf32, #tpu.memory_space<vmem>>[vector<16xi32>], vector<16xf32>,
      %mul3A_173 = arith.mulf %gather3A_172, %get3A_163 : vector<16xf32>
      %mul3A_174 = arith.mulf %mul3A_173, %get3A_163 : vector<16xf32>
      %add3A_175 = arith.addf %scan3A_148, %mul3A_174 : vector<16xf32>
      %mul3A_176 = arith.constant 8 : i32
      %mul3A_177 = arith.muli %scan3A_147, %mul3A_176 : i32
      %add3A_178 = arith.constant 1 : i32
      %add3A_179 = arith.addi %mul3A_177, %add3A_178 : i32
      %mul3A_180 = arith.constant 16 : i32
      %mul3A_181 = arith.muli %add3A_179, %mul3A_180 : i32
      %get3A_182 = arith.index_cast %mul3A_181 : i32 to index
      %get3A_183 = tpu.vector_load %arg9[%get3A_182] {strides = array<i32>} : memref<16384xf32, #tpu.memory_space<vmem>>, vector<16xf32>,
      %div3A_184 = arith.divf %get3A_183, %max3A_118 : vector<16xf32>
      %mul3A_185 = vector.broadcast %scan3A_128 : f32 to vector<16xf32>
      %mul3A_186 = arith.mulf %div3A_184, %mul3A_185 : vector<16xf32>
      %convert_element_type3A_187 = arith.fptosi %mul3A_186 : vector<16xf32> to vector<16xi32>
      %jit3A_188 = arith.constant 0 : i32
      %jit3A_189 = arith.constant 9 : i32
      %max3A_190 = vector.broadcast %jit3A_188 : i32 to vector<16xi32>
      %max3A_191 = arith.maxsi %max3A_190, %convert_element_type3A_187 : vector<16xi32>
      %min3A_192 = vector.broadcast %jit3A_189 : i32 to vector<16xi32>
      %min3A_193 = arith.minsi %min3A_192, %max3A_191 : vector<16xi32>
      %gather3A_194 = tpu.vector_load_idx %arg10[%min3A_193] : memref<16xf32, #tpu.memory_space<vmem>>[vector<16xi32>], vector<16xf32>,
      %mul3A_195 = arith.mulf %gather3A_194, %get3A_183 : vector<16xf32>
      %mul3A_196 = arith.mulf %mul3A_195, %get3A_183 : vector<16xf32>
      %add3A_197 = arith.addf %scan3A_149, %mul3A_196 : vector<16xf32>
      %mul3A_198 = arith.constant 8 : i32
      %mul3A_199 = arith.muli %scan3A_147, %mul3A_198 : i32
      %add3A_200 = arith.constant 2 : i32
      %add3A_201 = arith.addi %mul3A_199, %add3A_200 : i32
      %mul3A_202 = arith.constant 16 : i32
      %mul3A_203 = arith.muli %add3A_201, %mul3A_202 : i32
      %get3A_204 = arith.index_cast %mul3A_203 : i32 to index
      %get3A_205 = tpu.vector_load %arg9[%get3A_204] {strides = array<i32>} : memref<16384xf32, #tpu.memory_space<vmem>>, vector<16xf32>,
      %div3A_206 = arith.divf %get3A_205, %max3A_118 : vector<16xf32>
      %mul3A_207 = vector.broadcast %scan3A_128 : f32 to vector<16xf32>
      %mul3A_208 = arith.mulf %div3A_206, %mul3A_207 : vector<16xf32>
      %convert_element_type3A_209 = arith.fptosi %mul3A_208 : vector<16xf32> to vector<16xi32>
      %jit3A_210 = arith.constant 0 : i32
      %jit3A_211 = arith.constant 9 : i32
      %max3A_212 = vector.broadcast %jit3A_210 : i32 to vector<16xi32>
      %max3A_213 = arith.maxsi %max3A_212, %convert_element_type3A_209 : vector<16xi32>
      %min3A_214 = vector.broadcast %jit3A_211 : i32 to vector<16xi32>
      %min3A_215 = arith.minsi %min3A_214, %max3A_213 : vector<16xi32>
      %gather3A_216 = tpu.vector_load_idx %arg10[%min3A_215] : memref<16xf32, #tpu.memory_space<vmem>>[vector<16xi32>], vector<16xf32>,
      %mul3A_217 = arith.mulf %gather3A_216, %get3A_205 : vector<16xf32>
      %mul3A_218 = arith.mulf %mul3A_217, %get3A_205 : vector<16xf32>
      %add3A_219 = arith.addf %scan3A_150, %mul3A_218 : vector<16xf32>
      %mul3A_220 = arith.constant 8 : i32
      %mul3A_221 = arith.muli %scan3A_147, %mul3A_220 : i32
      %add3A_222 = arith.constant 3 : i32
      %add3A_223 = arith.addi %mul3A_221, %add3A_222 : i32
      %mul3A_224 = arith.constant 16 : i32
      %mul3A_225 = arith.muli %add3A_223, %mul3A_224 : i32
      %get3A_226 = arith.index_cast %mul3A_225 : i32 to index
      %get3A_227 = tpu.vector_load %arg9[%get3A_226] {strides = array<i32>} : memref<16384xf32, #tpu.memory_space<vmem>>, vector<16xf32>,
      %div3A_228 = arith.divf %get3A_227, %max3A_118 : vector<16xf32>
      %mul3A_229 = vector.broadcast %scan3A_128 : f32 to vector<16xf32>
      %mul3A_230 = arith.mulf %div3A_228, %mul3A_229 : vector<16xf32>
      %convert_element_type3A_231 = arith.fptosi %mul3A_230 : vector<16xf32> to vector<16xi32>
      %jit3A_232 = arith.constant 0 : i32
      %jit3A_233 = arith.constant 9 : i32
      %max3A_234 = vector.broadcast %jit3A_232 : i32 to vector<16xi32>
      %max3A_235 = arith.maxsi %max3A_234, %convert_element_type3A_231 : vector<16xi32>
      %min3A_236 = vector.broadcast %jit3A_233 : i32 to vector<16xi32>
      %min3A_237 = arith.minsi %min3A_236, %max3A_235 : vector<16xi32>
      %gather3A_238 = tpu.vector_load_idx %arg10[%min3A_237] : memref<16xf32, #tpu.memory_space<vmem>>[vector<16xi32>], vector<16xf32>,
      %mul3A_239 = arith.mulf %gather3A_238, %get3A_227 : vector<16xf32>
      %mul3A_240 = arith.mulf %mul3A_239, %get3A_227 : vector<16xf32>
      %add3A_241 = arith.addf %scan3A_151, %mul3A_240 : vector<16xf32>
      %mul3A_242 = arith.constant 8 : i32
      %mul3A_243 = arith.muli %scan3A_147, %mul3A_242 : i32
      %add3A_244 = arith.constant 4 : i32
      %add3A_245 = arith.addi %mul3A_243, %add3A_244 : i32
      %mul3A_246 = arith.constant 16 : i32
      %mul3A_247 = arith.muli %add3A_245, %mul3A_246 : i32
      %get3A_248 = arith.index_cast %mul3A_247 : i32 to index
      %get3A_249 = tpu.vector_load %arg9[%get3A_248] {strides = array<i32>} : memref<16384xf32, #tpu.memory_space<vmem>>, vector<16xf32>,
      %div3A_250 = arith.divf %get3A_249, %max3A_118 : vector<16xf32>
      %mul3A_251 = vector.broadcast %scan3A_128 : f32 to vector<16xf32>
      %mul3A_252 = arith.mulf %div3A_250, %mul3A_251 : vector<16xf32>
      %convert_element_type3A_253 = arith.fptosi %mul3A_252 : vector<16xf32> to vector<16xi32>
      %jit3A_254 = arith.constant 0 : i32
      %jit3A_255 = arith.constant 9 : i32
      %max3A_256 = vector.broadcast %jit3A_254 : i32 to vector<16xi32>
      %max3A_257 = arith.maxsi %max3A_256, %convert_element_type3A_253 : vector<16xi32>
      %min3A_258 = vector.broadcast %jit3A_255 : i32 to vector<16xi32>
      %min3A_259 = arith.minsi %min3A_258, %max3A_257 : vector<16xi32>
      %gather3A_260 = tpu.vector_load_idx %arg10[%min3A_259] : memref<16xf32, #tpu.memory_space<vmem>>[vector<16xi32>], vector<16xf32>,
      %mul3A_261 = arith.mulf %gather3A_260, %get3A_249 : vector<16xf32>
      %mul3A_262 = arith.mulf %mul3A_261, %get3A_249 : vector<16xf32>
      %add3A_263 = arith.addf %scan3A_152, %mul3A_262 : vector<16xf32>
      %mul3A_264 = arith.constant 8 : i32
      %mul3A_265 = arith.muli %scan3A_147, %mul3A_264 : i32
      %add3A_266 = arith.constant 5 : i32
      %add3A_267 = arith.addi %mul3A_265, %add3A_266 : i32
      %mul3A_268 = arith.constant 16 : i32
      %mul3A_269 = arith.muli %add3A_267, %mul3A_268 : i32
      %get3A_270 = arith.index_cast %mul3A_269 : i32 to index
      %get3A_271 = tpu.vector_load %arg9[%get3A_270] {strides = array<i32>} : memref<16384xf32, #tpu.memory_space<vmem>>, vector<16xf32>,
      %div3A_272 = arith.divf %get3A_271, %max3A_118 : vector<16xf32>
      %mul3A_273 = vector.broadcast %scan3A_128 : f32 to vector<16xf32>
      %mul3A_274 = arith.mulf %div3A_272, %mul3A_273 : vector<16xf32>
      %convert_element_type3A_275 = arith.fptosi %mul3A_274 : vector<16xf32> to vector<16xi32>
      %jit3A_276 = arith.constant 0 : i32
      %jit3A_277 = arith.constant 9 : i32
      %max3A_278 = vector.broadcast %jit3A_276 : i32 to vector<16xi32>
      %max3A_279 = arith.maxsi %max3A_278, %convert_element_type3A_275 : vector<16xi32>
      %min3A_280 = vector.broadcast %jit3A_277 : i32 to vector<16xi32>
      %min3A_281 = arith.minsi %min3A_280, %max3A_279 : vector<16xi32>
      %gather3A_282 = tpu.vector_load_idx %arg10[%min3A_281] : memref<16xf32, #tpu.memory_space<vmem>>[vector<16xi32>], vector<16xf32>,
      %mul3A_283 = arith.mulf %gather3A_282, %get3A_271 : vector<16xf32>
      %mul3A_284 = arith.mulf %mul3A_283, %get3A_271 : vector<16xf32>
      %add3A_285 = arith.addf %scan3A_153, %mul3A_284 : vector<16xf32>
      %mul3A_286 = arith.constant 8 : i32
      %mul3A_287 = arith.muli %scan3A_147, %mul3A_286 : i32
      %add3A_288 = arith.constant 6 : i32
      %add3A_289 = arith.addi %mul3A_287, %add3A_288 : i32
      %mul3A_290 = arith.constant 16 : i32
      %mul3A_291 = arith.muli %add3A_289, %mul3A_290 : i32
      %get3A_292 = arith.index_cast %mul3A_291 : i32 to index
      %get3A_293 = tpu.vector_load %arg9[%get3A_292] {strides = array<i32>} : memref<16384xf32, #tpu.memory_space<vmem>>, vector<16xf32>,
      %div3A_294 = arith.divf %get3A_293, %max3A_118 : vector<16xf32>
      %mul3A_295 = vector.broadcast %scan3A_128 : f32 to vector<16xf32>
      %mul3A_296 = arith.mulf %div3A_294, %mul3A_295 : vector<16xf32>
      %convert_element_type3A_297 = arith.fptosi %mul3A_296 : vector<16xf32> to vector<16xi32>
      %jit3A_298 = arith.constant 0 : i32
      %jit3A_299 = arith.constant 9 : i32
      %max3A_300 = vector.broadcast %jit3A_298 : i32 to vector<16xi32>
      %max3A_301 = arith.maxsi %max3A_300, %convert_element_type3A_297 : vector<16xi32>
      %min3A_302 = vector.broadcast %jit3A_299 : i32 to vector<16xi32>
      %min3A_303 = arith.minsi %min3A_302, %max3A_301 : vector<16xi32>
      %gather3A_304 = tpu.vector_load_idx %arg10[%min3A_303] : memref<16xf32, #tpu.memory_space<vmem>>[vector<16xi32>], vector<16xf32>,
      %mul3A_305 = arith.mulf %gather3A_304, %get3A_293 : vector<16xf32>
      %mul3A_306 = arith.mulf %mul3A_305, %get3A_293 : vector<16xf32>
      %add3A_307 = arith.addf %scan3A_154, %mul3A_306 : vector<16xf32>
      %mul3A_308 = arith.constant 8 : i32
      %mul3A_309 = arith.muli %scan3A_147, %mul3A_308 : i32
      %add3A_310 = arith.constant 7 : i32
      %add3A_311 = arith.addi %mul3A_309, %add3A_310 : i32
      %mul3A_312 = arith.constant 16 : i32
      %mul3A_313 = arith.muli %add3A_311, %mul3A_312 : i32
      %get3A_314 = arith.index_cast %mul3A_313 : i32 to index
      %get3A_315 = tpu.vector_load %arg9[%get3A_314] {strides = array<i32>} : memref<16384xf32, #tpu.memory_space<vmem>>, vector<16xf32>,
      %div3A_316 = arith.divf %get3A_315, %max3A_118 : vector<16xf32>
      %mul3A_317 = vector.broadcast %scan3A_128 : f32 to vector<16xf32>
      %mul3A_318 = arith.mulf %div3A_316, %mul3A_317 : vector<16xf32>
      %convert_element_type3A_319 = arith.fptosi %mul3A_318 : vector<16xf32> to vector<16xi32>
      %jit3A_320 = arith.constant 0 : i32
      %jit3A_321 = arith.constant 9 : i32
      %max3A_322 = vector.broadcast %jit3A_320 : i32 to vector<16xi32>
      %max3A_323 = arith.maxsi %max3A_322, %convert_element_type3A_319 : vector<16xi32>
      %min3A_324 = vector.broadcast %jit3A_321 : i32 to vector<16xi32>
      %min3A_325 = arith.minsi %min3A_324, %max3A_323 : vector<16xi32>
      %gather3A_326 = tpu.vector_load_idx %arg10[%min3A_325] : memref<16xf32, #tpu.memory_space<vmem>>[vector<16xi32>], vector<16xf32>,
      %mul3A_327 = arith.mulf %gather3A_326, %get3A_315 : vector<16xf32>
      %mul3A_328 = arith.mulf %mul3A_327, %get3A_315 : vector<16xf32>
      %add3A_329 = arith.addf %scan3A_155, %mul3A_328 : vector<16xf32>
      scf.yield %add3A_175, %add3A_197, %add3A_219, %add3A_241, %add3A_263, %add3A_285, %add3A_307, %add3A_329 : vector<16xf32>, vector<16xf32>, vector<16xf32>, vector<16xf32>, vector<16xf32>, vector<16xf32>, vector<16xf32>, vector<16xf32>
    }
    %scan3A_134 = arith.constant 128 : i32
    %add3A_135 = arith.addf %scan3A_133#0, %scan3A_133#1 : vector<16xf32>
    %add3A_136 = arith.addf %add3A_135, %scan3A_133#2 : vector<16xf32>
    %add3A_137 = arith.addf %add3A_136, %scan3A_133#3 : vector<16xf32>
    %add3A_138 = arith.addf %add3A_137, %scan3A_133#4 : vector<16xf32>
    %add3A_139 = arith.addf %add3A_138, %scan3A_133#5 : vector<16xf32>
    %add3A_140 = arith.addf %add3A_139, %scan3A_133#6 : vector<16xf32>
    %add3A_141 = arith.addf %add3A_140, %scan3A_133#7 : vector<16xf32>
    %swap3A_142 = arith.constant 0 : index
    %swap3A_143 = tpu.vector_load %arg11[%swap3A_142] {strides = array<i32>} : memref<16xf32, #tpu.memory_space<vmem>>, vector<16xf32>,
    tpu.vector_store %arg11[%swap3A_142], %add3A_141 {strides = array<i32>} : memref<16xf32, #tpu.memory_space<vmem>>, vector<16xf32>,
    "tpu.region"() ({
      %run_scoped3A = tpu.sem_alloc : memref<!tpu.dma_semaphore, #tpu.memory_space<semaphore_mem>>
      %dma_start3A = arith.constant 0 : i32
      %dma_start3A_147 = tpu.memref_slice %arg6[%arg1, %dma_start3A] : memref<16x16xf32, #tpu.memory_space<hbm>> -> memref<1x16xf32, #tpu.memory_space<hbm>>
      %dma_start3A_148 = tpu.memref_squeeze %dma_start3A_147 : memref<1x16xf32, #tpu.memory_space<hbm>> -> memref<16xf32, #tpu.memory_space<hbm>>
      %dma_start3A_149 = arith.constant 0 : i32
      %dma_start3A_150 = tpu.memref_slice %arg6[%arg1, %dma_start3A_149] : memref<16x16xf32, #tpu.memory_space<hbm>> -> memref<1x16xf32, #tpu.memory_space<hbm>>
      %dma_start3A_151 = tpu.memref_squeeze %dma_start3A_150 : memref<1x16xf32, #tpu.memory_space<hbm>> -> memref<16xf32, #tpu.memory_space<hbm>>
      tpu.enqueue_dma source(%arg11 : memref<16xf32, #tpu.memory_space<vmem>>) target(%dma_start3A_151 : memref<16xf32, #tpu.memory_space<hbm>>) target_semaphore(%run_scoped3A : memref<!tpu.dma_semaphore, #tpu.memory_space<semaphore_mem>>)
      %dma_wait3A = arith.constant 0 : i32
      %dma_wait3A_152 = tpu.memref_slice %arg6[%arg1, %dma_wait3A] : memref<16x16xf32, #tpu.memory_space<hbm>> -> memref<1x16xf32, #tpu.memory_space<hbm>>
      %dma_wait3A_153 = tpu.memref_squeeze %dma_wait3A_152 : memref<1x16xf32, #tpu.memory_space<hbm>> -> memref<16xf32, #tpu.memory_space<hbm>>
      %dma_wait3A_154 = arith.constant 0 : i32
      %dma_wait3A_155 = tpu.memref_slice %arg6[%arg1, %dma_wait3A_154] : memref<16x16xf32, #tpu.memory_space<hbm>> -> memref<1x16xf32, #tpu.memory_space<hbm>>
      %dma_wait3A_156 = tpu.memref_squeeze %dma_wait3A_155 : memref<1x16xf32, #tpu.memory_space<hbm>> -> memref<16xf32, #tpu.memory_space<hbm>>
      tpu.wait_dma2 semaphore(%run_scoped3A : memref<!tpu.dma_semaphore, #tpu.memory_space<semaphore_mem>>) src(%arg11 : memref<16xf32, #tpu.memory_space<vmem>>) dst(%dma_wait3A_156 : memref<16xf32, #tpu.memory_space<hbm>>)
      tpu.yield
    }) : () -> ()
    %barrier3A_144 = arith.constant 0 : index
    tpu.barrier barrier_id(%barrier3A_144)
    %eq3A = arith.constant 0 : i32
    %eq3A_145 = arith.cmpi eq, %arg1, %eq3A : i32
    %convert_element_type3A = arith.extui %eq3A_145 : i1 to i32
    %cond3A = arith.constant 0 : i32
    %cond3A_146 = arith.cmpi ne, %convert_element_type3A, %cond3A : i32
    scf.if %cond3A_146 {
      "tpu.region"() ({
        %run_scoped3A = tpu.sem_alloc : memref<!tpu.dma_semaphore, #tpu.memory_space<semaphore_mem>>
        tpu.enqueue_dma source(%arg6 : memref<16x16xf32, #tpu.memory_space<hbm>>) target(%arg12 : memref<16x16xf32, #tpu.memory_space<vmem>>) target_semaphore(%run_scoped3A : memref<!tpu.dma_semaphore, #tpu.memory_space<semaphore_mem>>)
        tpu.wait_dma2 semaphore(%run_scoped3A : memref<!tpu.dma_semaphore, #tpu.memory_space<semaphore_mem>>) src(%arg6 : memref<16x16xf32, #tpu.memory_space<hbm>>) dst(%arg12 : memref<16x16xf32, #tpu.memory_space<vmem>>)
        tpu.yield
      }) : () -> ()
      %broadcast_in_dim3A_147 = arith.constant 0.000000e+00 : f32
      %broadcast_in_dim3A_148 = vector.broadcast %broadcast_in_dim3A_147 : f32 to vector<16xf32>
      %get3A_149 = arith.constant 0 : i32
      %get3A_150 = arith.index_cast %get3A_149 : i32 to index
      %get3A_151 = arith.constant 0 : index
      %get3A_152 = tpu.vector_load %arg12[%get3A_150, %get3A_151] {strides = array<i32>} : memref<16x16xf32, #tpu.memory_space<vmem>>, vector<16xf32>,
      %add3A_153 = arith.addf %broadcast_in_dim3A_148, %get3A_152 : vector<16xf32>
      %get3A_154 = arith.constant 1 : i32
      %get3A_155 = arith.index_cast %get3A_154 : i32 to index
      %get3A_156 = arith.constant 0 : index
      %get3A_157 = tpu.vector_load %arg12[%get3A_155, %get3A_156] {strides = array<i32>} : memref<16x16xf32, #tpu.memory_space<vmem>>, vector<16xf32>,
      %add3A_158 = arith.addf %add3A_153, %get3A_157 : vector<16xf32>
      %get3A_159 = arith.constant 2 : i32
      %get3A_160 = arith.index_cast %get3A_159 : i32 to index
      %get3A_161 = arith.constant 0 : index
      %get3A_162 = tpu.vector_load %arg12[%get3A_160, %get3A_161] {strides = array<i32>} : memref<16x16xf32, #tpu.memory_space<vmem>>, vector<16xf32>,
      %add3A_163 = arith.addf %add3A_158, %get3A_162 : vector<16xf32>
      %get3A_164 = arith.constant 3 : i32
      %get3A_165 = arith.index_cast %get3A_164 : i32 to index
      %get3A_166 = arith.constant 0 : index
      %get3A_167 = tpu.vector_load %arg12[%get3A_165, %get3A_166] {strides = array<i32>} : memref<16x16xf32, #tpu.memory_space<vmem>>, vector<16xf32>,
      %add3A_168 = arith.addf %add3A_163, %get3A_167 : vector<16xf32>
      %get3A_169 = arith.constant 4 : i32
      %get3A_170 = arith.index_cast %get3A_169 : i32 to index
      %get3A_171 = arith.constant 0 : index
      %get3A_172 = tpu.vector_load %arg12[%get3A_170, %get3A_171] {strides = array<i32>} : memref<16x16xf32, #tpu.memory_space<vmem>>, vector<16xf32>,
      %add3A_173 = arith.addf %add3A_168, %get3A_172 : vector<16xf32>
      %get3A_174 = arith.constant 5 : i32
      %get3A_175 = arith.index_cast %get3A_174 : i32 to index
      %get3A_176 = arith.constant 0 : index
      %get3A_177 = tpu.vector_load %arg12[%get3A_175, %get3A_176] {strides = array<i32>} : memref<16x16xf32, #tpu.memory_space<vmem>>, vector<16xf32>,
      %add3A_178 = arith.addf %add3A_173, %get3A_177 : vector<16xf32>
      %get3A_179 = arith.constant 6 : i32
      %get3A_180 = arith.index_cast %get3A_179 : i32 to index
      %get3A_181 = arith.constant 0 : index
      %get3A_182 = tpu.vector_load %arg12[%get3A_180, %get3A_181] {strides = array<i32>} : memref<16x16xf32, #tpu.memory_space<vmem>>, vector<16xf32>,
      %add3A_183 = arith.addf %add3A_178, %get3A_182 : vector<16xf32>
      %get3A_184 = arith.constant 7 : i32
      %get3A_185 = arith.index_cast %get3A_184 : i32 to index
      %get3A_186 = arith.constant 0 : index
      %get3A_187 = tpu.vector_load %arg12[%get3A_185, %get3A_186] {strides = array<i32>} : memref<16x16xf32, #tpu.memory_space<vmem>>, vector<16xf32>,
      %add3A_188 = arith.addf %add3A_183, %get3A_187 : vector<16xf32>
      %get3A_189 = arith.constant 8 : i32
      %get3A_190 = arith.index_cast %get3A_189 : i32 to index
      %get3A_191 = arith.constant 0 : index
      %get3A_192 = tpu.vector_load %arg12[%get3A_190, %get3A_191] {strides = array<i32>} : memref<16x16xf32, #tpu.memory_space<vmem>>, vector<16xf32>,
      %add3A_193 = arith.addf %add3A_188, %get3A_192 : vector<16xf32>
      %get3A_194 = arith.constant 9 : i32
      %get3A_195 = arith.index_cast %get3A_194 : i32 to index
      %get3A_196 = arith.constant 0 : index
      %get3A_197 = tpu.vector_load %arg12[%get3A_195, %get3A_196] {strides = array<i32>} : memref<16x16xf32, #tpu.memory_space<vmem>>, vector<16xf32>,
      %add3A_198 = arith.addf %add3A_193, %get3A_197 : vector<16xf32>
      %get3A_199 = arith.constant 10 : i32
      %get3A_200 = arith.index_cast %get3A_199 : i32 to index
      %get3A_201 = arith.constant 0 : index
      %get3A_202 = tpu.vector_load %arg12[%get3A_200, %get3A_201] {strides = array<i32>} : memref<16x16xf32, #tpu.memory_space<vmem>>, vector<16xf32>,
      %add3A_203 = arith.addf %add3A_198, %get3A_202 : vector<16xf32>
      %get3A_204 = arith.constant 11 : i32
      %get3A_205 = arith.index_cast %get3A_204 : i32 to index
      %get3A_206 = arith.constant 0 : index
      %get3A_207 = tpu.vector_load %arg12[%get3A_205, %get3A_206] {strides = array<i32>} : memref<16x16xf32, #tpu.memory_space<vmem>>, vector<16xf32>,
      %add3A_208 = arith.addf %add3A_203, %get3A_207 : vector<16xf32>
      %get3A_209 = arith.constant 12 : i32
      %get3A_210 = arith.index_cast %get3A_209 : i32 to index
      %get3A_211 = arith.constant 0 : index
      %get3A_212 = tpu.vector_load %arg12[%get3A_210, %get3A_211] {strides = array<i32>} : memref<16x16xf32, #tpu.memory_space<vmem>>, vector<16xf32>,
      %add3A_213 = arith.addf %add3A_208, %get3A_212 : vector<16xf32>
      %get3A_214 = arith.constant 13 : i32
      %get3A_215 = arith.index_cast %get3A_214 : i32 to index
      %get3A_216 = arith.constant 0 : index
      %get3A_217 = tpu.vector_load %arg12[%get3A_215, %get3A_216] {strides = array<i32>} : memref<16x16xf32, #tpu.memory_space<vmem>>, vector<16xf32>,
      %add3A_218 = arith.addf %add3A_213, %get3A_217 : vector<16xf32>
      %get3A_219 = arith.constant 14 : i32
      %get3A_220 = arith.index_cast %get3A_219 : i32 to index
      %get3A_221 = arith.constant 0 : index
      %get3A_222 = tpu.vector_load %arg12[%get3A_220, %get3A_221] {strides = array<i32>} : memref<16x16xf32, #tpu.memory_space<vmem>>, vector<16xf32>,
      %add3A_223 = arith.addf %add3A_218, %get3A_222 : vector<16xf32>
      %get3A_224 = arith.constant 15 : i32
      %get3A_225 = arith.index_cast %get3A_224 : i32 to index
      %get3A_226 = arith.constant 0 : index
      %get3A_227 = tpu.vector_load %arg12[%get3A_225, %get3A_226] {strides = array<i32>} : memref<16x16xf32, #tpu.memory_space<vmem>>, vector<16xf32>,
      %add3A_228 = arith.addf %add3A_223, %get3A_227 : vector<16xf32>
      %iota3A_229 = tpu.iota {dimensions = array<i32: 0>} : vector<16xi32>
      %xor3A_230 = arith.constant 1 : i32
      %xor3A_231 = vector.broadcast %xor3A_230 : i32 to vector<16xi32>
      %xor3A_232 = arith.xori %iota3A_229, %xor3A_231 : vector<16xi32>
      %broadcast_in_dim3A_233 = vector.shape_cast %xor3A_232 : vector<16xi32> to vector<16x1xi32>
      %gather3A_234 = vector.shape_cast %broadcast_in_dim3A_233 : vector<16x1xi32> to vector<16xi32>
      %gather3A_235 = tpu.dynamic_gather %add3A_228[%gather3A_234] in [0] : vector<16xf32>, vector<16xi32> -> vector<16xf32>
      %add3A_236 = arith.addf %add3A_228, %gather3A_235 : vector<16xf32>
      %xor3A_237 = arith.constant 2 : i32
      %xor3A_238 = vector.broadcast %xor3A_237 : i32 to vector<16xi32>
      %xor3A_239 = arith.xori %iota3A_229, %xor3A_238 : vector<16xi32>
      %broadcast_in_dim3A_240 = vector.shape_cast %xor3A_239 : vector<16xi32> to vector<16x1xi32>
      %gather3A_241 = vector.shape_cast %broadcast_in_dim3A_240 : vector<16x1xi32> to vector<16xi32>
      %gather3A_242 = tpu.dynamic_gather %add3A_236[%gather3A_241] in [0] : vector<16xf32>, vector<16xi32> -> vector<16xf32>
      %add3A_243 = arith.addf %add3A_236, %gather3A_242 : vector<16xf32>
      %xor3A_244 = arith.constant 4 : i32
      %xor3A_245 = vector.broadcast %xor3A_244 : i32 to vector<16xi32>
      %xor3A_246 = arith.xori %iota3A_229, %xor3A_245 : vector<16xi32>
      %broadcast_in_dim3A_247 = vector.shape_cast %xor3A_246 : vector<16xi32> to vector<16x1xi32>
      %gather3A_248 = vector.shape_cast %broadcast_in_dim3A_247 : vector<16x1xi32> to vector<16xi32>
      %gather3A_249 = tpu.dynamic_gather %add3A_243[%gather3A_248] in [0] : vector<16xf32>, vector<16xi32> -> vector<16xf32>
      %add3A_250 = arith.addf %add3A_243, %gather3A_249 : vector<16xf32>
      %xor3A_251 = arith.constant 8 : i32
      %xor3A_252 = vector.broadcast %xor3A_251 : i32 to vector<16xi32>
      %xor3A_253 = arith.xori %iota3A_229, %xor3A_252 : vector<16xi32>
      %broadcast_in_dim3A_254 = vector.shape_cast %xor3A_253 : vector<16xi32> to vector<16x1xi32>
      %gather3A_255 = vector.shape_cast %broadcast_in_dim3A_254 : vector<16x1xi32> to vector<16xi32>
      %gather3A_256 = tpu.dynamic_gather %add3A_250[%gather3A_255] in [0] : vector<16xf32>, vector<16xi32> -> vector<16xf32>
      %add3A_257 = arith.addf %add3A_250, %gather3A_256 : vector<16xf32>
      %mul3A_258 = arith.constant 3.81469727E-6 : f32
      %mul3A_259 = vector.broadcast %mul3A_258 : f32 to vector<16xf32>
      %mul3A_260 = arith.mulf %add3A_257, %mul3A_259 : vector<16xf32>
      %swap3A_261 = arith.constant 0 : index
      %swap3A_262 = tpu.vector_load %arg13[%swap3A_261] {strides = array<i32>} : memref<16xf32, #tpu.memory_space<vmem>>, vector<16xf32>,
      tpu.vector_store %arg13[%swap3A_261], %mul3A_260 {strides = array<i32>} : memref<16xf32, #tpu.memory_space<vmem>>, vector<16xf32>,
      "tpu.region"() ({
        %run_scoped3A = tpu.sem_alloc : memref<!tpu.dma_semaphore, #tpu.memory_space<semaphore_mem>>
        tpu.enqueue_dma source(%arg13 : memref<16xf32, #tpu.memory_space<vmem>>) target(%arg5 : memref<16xf32, #tpu.memory_space<hbm>>) target_semaphore(%run_scoped3A : memref<!tpu.dma_semaphore, #tpu.memory_space<semaphore_mem>>)
        tpu.wait_dma2 semaphore(%run_scoped3A : memref<!tpu.dma_semaphore, #tpu.memory_space<semaphore_mem>>) src(%arg13 : memref<16xf32, #tpu.memory_space<vmem>>) dst(%arg5 : memref<16xf32, #tpu.memory_space<hbm>>)
        tpu.yield
      }) : () -> ()
    } else {
    }
    return
  }
}

</mosaic_0001>

<sc_bundles>
// kernel: kernel.3.cloned.1.call-start
scs
__scs_entry_jumppad:
0x0: {  	(pc) =	sbr.rel $0x88, $3  }
0x1: {  	(tag) =	ssettag $0x0;
	lr =	simm.s32 $0x1  }
0x2: {  	[smem:$0x3F9E] =	sst lr;
	_ =	strace $0xD0000000  }
0x3: {  	_ = 	snop  }
0x4: {  	_ = 	snop  }
0x5: {  	_ = 	snop  }
0x6: {  	_ = 	snop  }
0x7: {  	_ = 	snop  }
__scs_overlays_trampoline_lowered:
0x8: {  	[smem:$0x3FAD] =	sst s0  }
0x9: {  	[smem:$0x3FAE] =	sst s1  }
0xa: {  	[smem:$0x3FAF] =	sst s2  }
0xb: {  	[smem:$0x3FB0] =	sst s3  }
0xc: {  	[smem:$0x3FB1] =	sst s4  }
0xd: {  	[smem:$0x3FB2] =	sst s5  }
0xe: {  	[smem:$0x3FB3] =	sst s6  }
0xf: {  	[smem:$0x3FB4] =	sst s7  }
0x10: {  	[smem:$0x3FB5] =	sst s8  }
0x11: {  	[smem:$0x3FB6] =	sst s9;
	s0 =	simm.s32 @!p0 $0x0  }
0x12: {  	s1 =	sld [smem:$0x3F9C];
	s0 =	simm.s32 @p0 $0x1  }
0x13: {  	[smem:$0x3FB7] =	sst s0;
	s0 =	simm.s32 @!p1 $0x0  }
0x14: {  	s2 =	sld [smem:$0x3F9B];
	s0 =	simm.s32 @p1 $0x1  }
0x15: {  	[smem:$0x3FB8] =	sst s0;
	s0 =	simm.s32 @!p2 $0x0  }
0x16: {  	s3 =	sld [smem:$0x3FDB];
	s0 =	simm.s32 @p2 $0x1  }
0x17: {  	s4 =	simm.s32 $0x1BF5;
	[smem:$0x3FBA] =	sst s0  }
0x18: {  	s0 =	sld [smem:$0x3F9D];
	_ =	swait.ge [sflag:s4], $0x0  }
0x19: {  	s7 =	sld [smem:$0x3F9E]  }
0x1a: {  	s8 =	sadd.s32 $0xFFFFE003, lr  }
0x1b: {  	s9 =	sadd.s32 $0xFFFFFEF7, lr;
	s5 =	simm.s32 $0xFFFFFFFF;
	p2 =	slt.u32 s8, $0xFFFFF086  }
0x1c: {  	p1 =	slt.u32 s9, $0xF7A;
	s5 =	simm.s32 @!p2 $0x0  }
0x1d: {  	s5 =	simm.s32 @p1 $0x1;
	p0 =	seq.s32 s7, s2  }
0x1e: {  	s7 =	smul.u32 @!p0 $0xF7A, s2;
	p2 =	seq.s32 @!p0 s5, $0x0  }
0x1f: {  	s9 =	smul.u32 $0xF7A, s1;
	s8 =	simm.s32 @!p0 $0x1BF5;
	p2 =	por !p2, p0  }
0x20: {  	[sflag:s8] =	ssyncset.s32 @!p0 $0xFFFFF086;
	s6 =	sadd.s32 @!p0 s3, s7;
	s7 =	simm.s32 @!p0 $0x108  }
0x21: {  	s3 =	sadd.s32 s3, s9;
	s6 =	sadd.s32 @!p0 $0x88, s6;
	s7 =	simm.s32 @p2 $0x1082  }
0x22: {  	[simem:s7], [sflag:s8] =	dma.local @!p0 [hbm:s6], $0xF7A  }
0x23: {  	s9 =	sor.u32 $0xD0000000, s2;
	s6 =	simm.s32 $0x108;
	_ =	swait.ge @!p0 [sflag:s8], $0x0  }
0x24: {  	s3 =	sadd.s32 $0x88, s3;
	s6 =	simm.s32 @!p1 $0x1082;
	[sflag:s4] =	ssyncset.s32 $0xFFFFF086  }
0x25: {  	[simem:s6], [sflag:s4] =	dma.local [hbm:s3], $0xF7A  }
0x26: {  	[smem:$0x3F9E] =	sst s1;
	(tag) =	ssettag s2;
	_ =	strace s9  }
0x27: {  	s1 =	sld [smem:$0x3FAE]  }
0x28: {  	s2 =	sld [smem:$0x3FAF]  }
0x29: {  	s4 =	sld [smem:$0x3FB1]  }
0x2a: {  	p0 =	seq.s32 s5, $0x0;
	s5 =	sld [smem:$0x3FB2]  }
0x2b: {  	s6 =	sld [smem:$0x3FB3]  }
0x2c: {  	s7 =	sld [smem:$0x3FB4]  }
0x2d: {  	s3 =	simm.s32 $0x108;
	s8 =	sld [smem:$0x3FB5]  }
0x2e: {  	s3 =	simm.s32 @!p0 $0x1082;
	s9 =	sld [smem:$0x3FB6]  }
0x2f: {  	lr =	sadd.s32 s0, s3;
	s0 =	sld [smem:$0x3FAD]  }
0x30: {  	s3 =	sld [smem:$0x3FB0]  }
0x31: {  	[smem:$0x3FB9] =	sst s10  }
0x32: {  	s10 =	sld [smem:$0x3FB7];
	_ =	sdelay $0x3  }
0x33: {  	p0 =	seq.s32 s10, $0x1;
	s10 =	sld [smem:$0x3FB9];
	_ =	sdelay $0x3  }
0x34: {  	[smem:$0x3FB9] =	sst s10  }
0x35: {  	s10 =	sld [smem:$0x3FB8];
	_ =	sdelay $0x3  }
0x36: {  	p1 =	seq.s32 s10, $0x1;
	s10 =	sld [smem:$0x3FB9];
	_ =	sdelay $0x3  }
0x37: {  	[smem:$0x3FB9] =	sst s10  }
0x38: {  	s10 =	sld [smem:$0x3FBA]  }
0x39: {  	_ = 	snop;
	(pc) =	sbr.ind lr, $3  }
0x3a: {  	_ = 	snop  }
0x3b: {  	_ = 	snop  }
0x3c: {  	p2 =	seq.s32 s10, $0x1;
	s10 =	sld [smem:$0x3FB9]  }
0x3d: {  	_ =	shalt  }
0x3e: {  	_ =	shalt  }
0x3f: {  	_ =	shalt  }
0x40: {  	_ =	shalt  }
0x41: {  	_ =	shalt  }
0x42: {  	_ =	shalt  }
0x43: {  	_ =	shalt  }
0x44: {  	_ =	shalt  }
0x45: {  	_ =	shalt  }
0x46: {  	_ =	shalt  }
0x47: {  	_ =	shalt  }
0x48: {  	_ =	shalt  }
0x49: {  	_ =	shalt  }
0x4a: {  	_ =	shalt  }
0x4b: {  	_ =	shalt  }
0x4c: {  	_ =	shalt  }
0x4d: {  	_ =	shalt  }
0x4e: {  	_ =	shalt  }
0x4f: {  	_ =	shalt  }
0x50: {  	_ =	shalt  }
0x51: {  	_ =	shalt  }
0x52: {  	_ =	shalt  }
0x53: {  	_ =	shalt  }
0x54: {  	_ =	shalt  }
0x55: {  	_ =	shalt  }
0x56: {  	_ =	shalt  }
0x57: {  	_ =	shalt  }
0x58: {  	_ =	shalt  }
0x59: {  	_ =	shalt  }
0x5a: {  	_ =	shalt  }
0x5b: {  	_ =	shalt  }
0x5c: {  	_ =	shalt  }
0x5d: {  	_ =	shalt  }
0x5e: {  	_ =	shalt  }
0x5f: {  	_ =	shalt  }
0x60: {  	_ =	shalt  }
0x61: {  	_ =	shalt  }
0x62: {  	_ =	shalt  }
0x63: {  	_ =	shalt  }
0x64: {  	_ =	shalt  }
0x65: {  	_ =	shalt  }
0x66: {  	_ =	shalt  }
0x67: {  	_ =	shalt  }
0x68: {  	_ =	shalt  }
0x69: {  	_ =	shalt  }
0x6a: {  	_ =	shalt  }
0x6b: {  	_ =	shalt  }
0x6c: {  	_ =	shalt  }
0x6d: {  	_ =	shalt  }
0x6e: {  	_ =	shalt  }
0x6f: {  	_ =	shalt  }
0x70: {  	_ =	shalt  }
0x71: {  	_ =	shalt  }
0x72: {  	_ =	shalt  }
0x73: {  	_ =	shalt  }
0x74: {  	_ =	shalt  }
0x75: {  	_ =	shalt  }
0x76: {  	_ =	shalt  }
0x77: {  	_ =	shalt  }
0x78: {  	_ =	shalt  }
0x79: {  	_ =	shalt  }
0x7a: {  	_ =	shalt  }
0x7b: {  	_ =	shalt  }
0x7c: {  	_ =	shalt  }
0x7d: {  	_ =	shalt  }
0x7e: {  	_ =	shalt  }
0x7f: {  	_ =	shalt  }
0x80: {  	_ =	shalt  }
0x81: {  	_ =	shalt  }
0x82: {  	_ =	shalt  }
0x83: {  	_ =	shalt  }
0x84: {  	_ =	shalt  }
0x85: {  	_ =	shalt  }
0x86: {  	_ =	shalt  }
0x87: {  	_ =	shalt  }
.Lfunc_end0:
.L_simem_size_0:
called_computation_lowered:
.L_overlay_start_0:
0x88: {  	s0 =	sld [smem:$0x3FD9]  }
0x89: {  	s1 =	sld [smem:$0x3FFE];
	_ =	sdelay $0x3  }
0x8a: {  	s0 =	sadd.s32 s1, s0  }
0x8b: {  	[smem:$0x3FC5] =	sst s0  }
0x8c: {  	_ = 	snop  }
0x8d: {  	s0 =	sld [smem:$0x3FC9]  }
0x8e: {  	s16 =	sld [smem:$0x3FC8]  }
0x8f: {  	s2 =	sld [smem:$0x3FD0];
	(tm) =	ssettm $0x1  }
0x90: {  	s3 =	sld [smem:$0x3FFB];
	_ =	sdelay $0x3  }
0x91: {  	_ =	strace s3  }
0x92: {  	s3 =	sld [smem:$0x3FFC];
	_ =	sdelay $0x3  }
0x93: {  	_ =	strace s3  }
0x94: {  	s3 =	sld [smem:$0x3FFD];
	_ =	sdelay $0x3  }
0x95: {  	_ =	strace s3  }
0x96: {  	_ =	strace $0x8FFFFFFF  }
0x97: {  	s17 =	sld [smem:$0x3FDB];
	_ =	sdelay $0x1  }
0x98: {  	s4 =	simm.s32 $_scs_section_size  }
0x99: {  	s5 =	simm.s32 $_size__tile_overlayer_lowered;
	s6 =	simm.s32 $_tile_overlayer_lowered  }
0x9a: {  	s20 =	simm.s32 $0x1BFF;
	s19 =	sshll.u32 s6, $0x1;
	s3 =	sadd.s32 s4, s17  }
0x9b: {  	s7 =	simm.s32 $0x0;
	s18 =	sshll.u32 s5, $0x1;
	s5 =	sadd.s32 s19, s3  }
0x9c: {  	[timem:s7], [sflag:s20] =	dma.local [hbm:s5], s18  }
0x9d: {  	_ =	swait.ge [sflag:s20], s18  }
0x9e: {  	s4 =	ssub.s32 $0x0, s18;
	[sflag:s20] =	ssyncset.done $0x0  }
0x9f: {  	[sflag:s20] =	ssyncadd.s32 s4;
	_ =	sdelay $0x1  }
0xa0: {  	s21 =	simm.s32 $0x1B8B  }
0xa1: {  	_ =	swait.ge [sflag:s21], $0x1  }
0xa2: {  	[sflag:s21] =	ssyncset.done $0x0  }
0xa3: {  	s23 =	simm.s32 $0x1B8E;
	s22 =	sld [smem:$0x3FFE];
	[sflag:s21] =	ssyncadd.s32 $0xFFFFFFFF  }
0xa4: {  	s24 =	simm.s32 $execute0_lowered;
	[smem:$0x3FD2] =	sst s23  }
0xa5: {  	s5 =	sshll.u32 s24, $0x1;
	_ =	strace $0x80000046;
	[dreg:$0x1] =	wrdreg $0xFFFFFFFF  }
0xa6: {  	s25 =	simm.s32 $_size_execute0_lowered;
	s3 =	sadd.s32 s3, s5;
	[dreg:$0x0] =	wrdreg $0x0  }
0xa7: {  	s5 =	sshll.u32 s25, $0x1;
	[dreg:$0x2] =	wrdreg s3  }
0xa8: {  	[dreg:$0x3] =	wrdreg s5  }
0xa9: {  	[dreg:$0x4] =	wrdreg $0xC0  }
0xaa: {  	_ =	task [dreg:s7], $0x5FFFF  }
0xab: {  	[dreg:$0x1] =	wrdreg $0xFFFFFFFF  }
0xac: {  	[dreg:$0x0] =	wrdreg $0x60  }
0xad: {  	[dreg:$0x2] =	wrdreg s0  }
0xae: {  	[dreg:$0x3] =	wrdreg s16  }
0xaf: {  	[dreg:$0x4] =	wrdreg s22  }
0xb0: {  	[dreg:$0x5] =	wrdreg s2  }
0xb1: {  	[dreg:$0x6] =	wrdreg $0x9  }
0xb2: {  	_ =	task.clear_ibuf [dreg:s7], $0x7FFFF;
	_ =	strace $0x90000046  }
0xb3: {  	s26 =	simm.s32 $0x9;
	_ =	strace $0x80000048  }
0xb4: {  	_ =	swait.ge [sflag:s26], $0x1  }
0xb5: {  	[sflag:s26] =	ssyncadd.s32 $0xFFFFFFFF  }
0xb6: {  	_ =	strace $0x90000048  }
0xb7: {  	_ =	sfence  }
0xb8: {  	s28 =	sld [smem:$0x0];
	_ =	sdelay $0x1  }
0xb9: {  	s29 =	srdreg.scid  }
0xba: {  	s30 =	sshll.u32 s29, $0xD;
	s31 =	sshrl.u32 s29, $0x2  }
0xbb: {  	s1 =	sand.u32 $0x1, s29;
	s2 =	sand.u32 $0x4000, s30;
	s0 =	sadd.s32 s31, s28  }
0xbc: {  	s1 =	sor.u32 s2, s1;
	s0 =	sshll.u32 s0, $0x11  }
0xbd: {  	s0 =	sor.u32 s0, s1  }
0xbe: {  	s0 =	sadd.s32 $0x8F2B, s0  }
0xbf: {  	[sflag:s0] =	ssyncadd.remote.s32 $0x1  }
0xc0: {  	_ =	sfence.sel $0xFFFF  }
0xc1: {  	[dreg:$0x0] =	wrdreg $0xFFFFFFFF;
	(pc) =	sbr.abs _section_cstart, $3  }
0xc2: {  	[dreg:$0x1] =	wrdreg $0xFFFFFFFF  }
0xc3: {  	_ =	task.clear_ibuf [dreg:s7], $0x2FFFF;
	_ =	strace $0x9FFFFFFF  }
0xc4: {  	(tm) =	ssettm $0x7FFFFFFF  }
0xc5: {  	_ =	shalt  }
tec
execute0_lowered:
.L_overlay_start_1:
0x0: {  	(tag) =	ssettag $0x1  }
0x1: {  	s4 =	rddreg [dreg:$0x0]  }
0x2: {  	s5 =	rddreg [dreg:$0x1]  }
0x3: {  	s3 =	rddreg [dreg:$0x2]  }
0x4: {  	s1 =	rddreg [dreg:$0x3]  }
0x5: {  	s0 =	rddreg [dreg:$0x4];
	s6 =	simm.s32 $0x0;
	s2 =	stileid.u32  }
0x6: {  	[smem:$0x7FF] =	sst s6;
	s7 =	sshll.u32 s2, $0xB  }
0x7: {  	s28 =	simm.s32 $0x1;
	_ =	strace $0x80000047;
	s4 =	sadd.s32 s4, s7  }
0x8: {  	[tilespmem:s6], [sflag:$0x1] =	stream.linear.gather [hbm4b:s4+s6], $0x4000, $0x38;
	[tilespmem:$0xC980] =	vst v63  }
0x9: {  	_ =	swait.ge [sflag:s28], $0x4000  }
0xa: {  	[sflag:s28] =	ssyncset.done $0x0  }
0xb: {  	s29 =	simm.s32 $0x4000;
	s5 =	sadd.s32 s5, s7;
	[sflag:s28] =	ssyncadd.s32 $0xFFFFC000  }
0xc: {  	[tilespmem:s29], [sflag:$0x1] =	stream.linear.gather [hbm4b:s5+s6], $0x4000, $0x38;
	[tilespmem:$0xC980] =	vst v63  }
0xd: {  	_ =	swait.ge [sflag:s28], $0x4000  }
0xe: {  	[sflag:s28] =	ssyncset.done $0x0  }
0xf: {  	s31 =	simm.s32 $0xC000;
	s30 =	sadd.s32 $0xA00, s3;
	[sflag:s28] =	ssyncadd.s32 $0xFFFFC000  }
0x10: {  	[tilespmem:s31], [sflag:$0x1] =	stream.linear.gather [hbm4b:s30+s6], $0x80, $0x38;
	[tilespmem:$0xC980] =	vst v63  }
0x11: {  	_ =	swait.ge [sflag:s28], $0x80  }
0x12: {  	[sflag:s28] =	ssyncset.done $0x0  }
0x13: {  	s4 =	simm.s32 $0x0;
	[sflag:s28] =	ssyncadd.s32 $0xFFFFFF80  }
0x14: {  	v0 =	vld [tilespmem:s4+$0x70]  }
0x15: {  	v1 =	vld [tilespmem:s4+$0x4070]  }
0x16: {  	v2 =	vld [tilespmem:s4+$0x0]  }
0x17: {  	v3 =	vld [tilespmem:s4+$0x4000]  }
0x18: {  	v4 =	vld [tilespmem:s4+$0x10]  }
0x19: {  	v5 =	vld [tilespmem:s4+$0x4010]  }
0x1a: {  	v6 =	vld [tilespmem:s4+$0x20]  }
0x1b: {  	v7 =	vld [tilespmem:s4+$0x30]  }
0x1c: {  	v9 =	vld [tilespmem:s4+$0x4030]  }
0x1d: {  	v0 =	vsub.f32 v0, v1;
	v1 =	vld [tilespmem:s4+$0x4020];
	_ =	sdelay $0x1  }
0x1e: {  	v12 =	vld [tilespmem:s4+$0x40]  }
0x1f: {  	v2 =	vsub.f32 v2, v3;
	v3 =	vsub.f32 v4, v5;
	v5 =	vld [tilespmem:s4+$0x4040]  }
0x20: {  	v7 =	vsub.f32 v7, v9;
	v0 =	vand.u32 $0x7FFFFFFF, v0  }
0x21: {  	v8 =	vld [tilespmem:s4+$0x50];
	v2 =	vand.u32 $0x7FFFFFFF, v2;
	[tilespmem:s4+$0x8070] =	vst v0;
	v1 =	vsub.f32 v6, v1  }
0x22: {  	v11 =	vld [tilespmem:s4+$0x4050];
	v4 =	vand.u32 $0x7FFFFFFF, v3;
	v3 =	vimm.f32 $0.0e+00;
	v10 =	vand.u32 $0x7FFFFFFF, v7;
	[tilespmem:s4+$0x8000] =	vst v2  }
0x23: {  	v13 =	vld [tilespmem:s4+$0x4060];
	v7 =	vimm.f32 $0.0e+00;
	[tilespmem:s4+$0x8010] =	vst v4;
	v0 =	vmax.f32 v3, v0;
	v6 =	vand.u32 $0x7FFFFFFF, v1  }
0x24: {  	s5 =	simm.s32 $0x80;
	v9 =	vld [tilespmem:s4+$0x60];
	v14 =	vsub.f32 v12, v5;
	v5 =	vimm.f32 $0.0e+00;
	v1 =	vmax.f32 v3, v2;
	[tilespmem:s4+$0x8020] =	vst v6  }
0x25: {  	s3 =	sadd.s32 $0xC00, s3;
	s6 =	simm.s32 $0x400;
	v2 =	vmax.f32 v3, v4;
	v4 =	vmax.f32 v3, v6;
	v6 =	vimm.f32 $0.0e+00;
	v12 =	vld [tilespmem:s5+$0x70]  }
.LBB2_1:
0x26: {  	p0 =	sne.s32 s6, $0xFE00;
	v15 =	vld [tilespmem:s5+$0x4070];
	[tilespmem:s4+$0x8030] =	vst v10;
	v3 =	vmax.f32 v3, v10  }
0x27: {  	v10 =	vld [tilespmem:s5+$0x0];
	v14 =	vand.u32 $0x7FFFFFFF, v14;
	v8 =	vsub.f32 v8, v11  }
0x28: {  	v11 =	vld [tilespmem:s5+$0x4000];
	[tilespmem:s4+$0x8040] =	vst v14;
	v6 =	vmax.f32 v6, v14  }
0x29: {  	v14 =	vld [tilespmem:s5+$0x10];
	v8 =	vand.u32 $0x7FFFFFFF, v8;
	v9 =	vsub.f32 v9, v13  }
0x2a: {  	v13 =	vld [tilespmem:s5+$0x4010];
	[tilespmem:s4+$0x8050] =	vst v8;
	v7 =	vmax.f32 v7, v8  }
0x2b: {  	v8 =	vld [tilespmem:s5+$0x20];
	v12 =	vsub.f32 v12, v15;
	v9 =	vand.u32 $0x7FFFFFFF, v9  }
0x2c: {  	v15 =	vld [tilespmem:s5+$0x4020];
	[tilespmem:s4+$0x8060] =	vst v9;
	v5 =	vmax.f32 v5, v9;
	s4 =	smov.u32 s5  }
0x2d: {  	v9 =	vsub.f32 v10, v11;
	v10 =	vld [tilespmem:s4+$0x30];
	v11 =	vand.u32 $0x7FFFFFFF, v12  }
0x2e: {  	v12 =	vld [tilespmem:s4+$0x4030];
	[tilespmem:s4+$0x8070] =	vst v11;
	v0 =	vmax.f32 v0, v11  }
0x2f: {  	v9 =	vand.u32 $0x7FFFFFFF, v9;
	v11 =	vsub.f32 v14, v13;
	v14 =	vld [tilespmem:s4+$0x40]  }
0x30: {  	[tilespmem:s4+$0x8000] =	vst v9;
	v1 =	vmax.f32 v1, v9;
	v16 =	vld [tilespmem:s4+$0x4040]  }
.Ltmp0:
0x31: {  	v9 =	vand.u32 $0x7FFFFFFF, v11;
	v13 =	vsub.f32 v8, v15;
	v8 =	vld [tilespmem:s4+$0x50];
	(pc) =	sbr.rel @p0 .LBB2_1-.Ltmp0, $4  }
0x32: {  	[tilespmem:s4+$0x8010] =	vst v9;
	v2 =	vmax.f32 v2, v9;
	v11 =	vld [tilespmem:s4+$0x4050]  }
0x33: {  	v13 =	vand.u32 $0x7FFFFFFF, v13;
	v10 =	vsub.f32 v10, v12;
	v9 =	vld [tilespmem:s4+$0x60]  }
0x34: {  	s5 =	sshra.s32 s6, $0x2;
	[tilespmem:s4+$0x8020] =	vst v13;
	v4 =	vmax.f32 v4, v13;
	v13 =	vld [tilespmem:s4+$0x4060]  }
0x35: {  	s6 =	sadd.s32 $0x200, s6;
	v12 =	vld [tilespmem:s5+$0x70];
	v10 =	vand.u32 $0x7FFFFFFF, v10;
	v14 =	vsub.f32 v14, v16  }
0x36: {  	v15 =	vld [tilespmem:s5+$0x4070];
	[tilespmem:s4+$0x8030] =	vst v10  }
0x37: {  	v16 =	vld [tilespmem:s5+$0x0];
	v14 =	vand.u32 $0x7FFFFFFF, v14;
	v8 =	vsub.f32 v8, v11  }
0x38: {  	v17 =	vld [tilespmem:s5+$0x4000];
	[tilespmem:s4+$0x8040] =	vst v14  }
0x39: {  	v11 =	vld [tilespmem:s5+$0x10];
	v8 =	vand.u32 $0x7FFFFFFF, v8;
	v9 =	vsub.f32 v9, v13  }
0x3a: {  	v18 =	vld [tilespmem:s5+$0x4010];
	[tilespmem:s4+$0x8050] =	vst v8  }
0x3b: {  	v13 =	vld [tilespmem:s5+$0x20];
	v9 =	vand.u32 $0x7FFFFFFF, v9  }
0x3c: {  	v19 =	vld [tilespmem:s5+$0x4020];
	[tilespmem:s4+$0x8060] =	vst v9  }
0x3d: {  	v12 =	vsub.f32 v12, v15;
	v15 =	vld [tilespmem:s5+$0x30]  }
0x3e: {  	v16 =	vsub.f32 v16, v17;
	v17 =	vld [tilespmem:s5+$0x4030]  }
0x3f: {  	v20 =	vld [tilespmem:s5+$0x40]  }
0x40: {  	v21 =	vld [tilespmem:s5+$0x50]  }
0x41: {  	v22 =	vld [tilespmem:s5+$0x60]  }
0x42: {  	v11 =	vsub.f32 v11, v18;
	v18 =	vld [tilespmem:s5+$0x4040]  }
0x43: {  	v3 =	vmax.f32 v3, v10;
	v6 =	vmax.f32 v6, v14;
	v13 =	vsub.f32 v13, v19;
	v19 =	vld [tilespmem:s5+$0x4050]  }
0x44: {  	v7 =	vmax.f32 v7, v8;
	v5 =	vmax.f32 v5, v9;
	v10 =	vld [tilespmem:s5+$0x4060];
	v16 =	vand.u32 $0x7FFFFFFF, v16  }
0x45: {  	v12 =	vand.u32 $0x7FFFFFFF, v12;
	v1 =	vmax.f32 v1, v16;
	v11 =	vand.u32 $0x7FFFFFFF, v11  }
0x46: {  	v2 =	vmax.f32 v2, v11;
	v13 =	vand.u32 $0x7FFFFFFF, v13;
	v8 =	vsub.f32 v15, v17  }
0x47: {  	[tilespmem:s5+$0x8070] =	vst v12;
	v1 =	vmax.f32 v1, v2;
	v4 =	vmax.f32 v4, v13;
	v9 =	vsub.f32 v20, v18  }
0x48: {  	[tilespmem:s5+$0x8010] =	vst v11;
	v8 =	vand.u32 $0x7FFFFFFF, v8;
	v1 =	vmax.f32 v1, v4;
	v11 =	vsub.f32 v21, v19  }
0x49: {  	[tilespmem:s5+$0x8000] =	vst v16;
	v3 =	vmax.f32 v3, v8;
	v2 =	vand.u32 $0x7FFFFFFF, v9;
	v9 =	vsub.f32 v22, v10  }
0x4a: {  	[tilespmem:s5+$0x8020] =	vst v13;
	v4 =	vmax.f32 v6, v2;
	v1 =	vmax.f32 v1, v3;
	v6 =	vand.u32 $0x7FFFFFFF, v11  }
0x4b: {  	[tilespmem:s5+$0x8030] =	vst v8;
	v1 =	vmax.f32 v1, v4;
	v3 =	vmax.f32 v7, v6;
	v7 =	vand.u32 $0x7FFFFFFF, v9  }
0x4c: {  	[tilespmem:s5+$0x8040] =	vst v2;
	v2 =	vmax.f32 v5, v7;
	v1 =	vmax.f32 v1, v3  }
0x4d: {  	v0 =	vmax.f32 v0, v12;
	[tilespmem:s5+$0x8050] =	vst v6;
	v1 =	vmax.f32 v1, v2  }
0x4e: {  	s25 =	sshll.u32 s2, $0x4;
	s26 =	simm.s32 $0x0;
	[tilespmem:s5+$0x8060] =	vst v7;
	v0 =	vmax.f32 v1, v0  }
0x4f: {  	s6 =	simm.s32 $0xC080;
	s28 =	simm.s32 $0x1;
	s4 =	sadd.s32 s3, s25;
	[tilespmem:$0xC080] =	vst v0  }
0x50: {  	[hbm4b:s4+s26] =	stream.linear.scatter [tilespmem:s6], [sflag:$0x1], $0x80, $0x38;
	[tilespmem:$0xC980] =	vst v63  }
0x51: {  	_ =	swait.ge [sflag:s28], $0x80  }
0x52: {  	[sflag:s28] =	ssyncset.done $0x0  }
0x53: {  	[sflag:s28] =	ssyncadd.s32 $0xFFFFFF80  }
0x54: {  	s7 =	simm.s32 $0xC100;
	[bflag:$0x0] =	sbarrier.arrive $0xFFFF  }
0x55: {  	[tilespmem:s7], [sflag:$0x1] =	stream.linear.gather [hbm4b:s3+s26], $0x800, $0x38;
	[tilespmem:$0xC980] =	vst v63  }
0x56: {  	_ =	swait.ge [sflag:s28], $0x800  }
0x57: {  	[sflag:s28] =	ssyncset.done $0x0  }
0x58: {  	[sflag:s28] =	ssyncadd.s32 $0xFFFFF800  }
0x59: {  	v0 =	vld [tilespmem:$0xC100]  }
0x5a: {  	v1 =	vld [tilespmem:$0xC180]  }
0x5b: {  	v2 =	vld [tilespmem:$0xC200]  }
0x5c: {  	v3 =	vld [tilespmem:$0xC280]  }
0x5d: {  	v4 =	vld [tilespmem:$0xC300]  }
0x5e: {  	v5 =	vld [tilespmem:$0xC380];
	v0 =	vmax.f32 v0, $0.0e+00  }
0x5f: {  	v0 =	vmax.f32 v0, v1;
	v1 =	vld [tilespmem:$0xC400]  }
0x60: {  	v0 =	vmax.f32 v0, v2;
	v2 =	vld [tilespmem:$0xC480]  }
0x61: {  	v0 =	vmax.f32 v0, v3;
	v3 =	vld [tilespmem:$0xC500]  }
0x62: {  	v0 =	vmax.f32 v0, v4;
	v4 =	vld [tilespmem:$0xC580]  }
0x63: {  	v0 =	vmax.f32 v0, v5;
	v5 =	vld [tilespmem:$0xC600]  }
0x64: {  	v0 =	vmax.f32 v0, v1;
	v1 =	vld [tilespmem:$0xC680]  }
0x65: {  	v0 =	vmax.f32 v0, v2;
	v2 =	vld [tilespmem:$0xC700]  }
0x66: {  	v0 =	vmax.f32 v0, v3;
	v3 =	vld [tilespmem:$0xC780]  }
0x67: {  	v0 =	vmax.f32 v0, v4;
	v4 =	vld [tilespmem:$0xC800]  }
0x68: {  	v6 =	vimm.s32 $0x67452301;
	v0 =	vmax.f32 v0, v5;
	v5 =	vimm.s32 $0xEFCDAB89  }
0x69: {  	v6 =	vunpack.c.l.s4.s8 v6;
	v0 =	vmax.f32 v0, v1;
	v1 =	vld [tilespmem:$0xC880];
	v5 =	vunpack.c.l.s4.s8 v5  }
0x6a: {  	v0 =	vmax.f32 v0, v2  }
0x6b: {  	v0 =	vmax.f32 v0, v3;
	v2 =	vunpack.c.0.s8.s32 v5;
	v3 =	vunpack.c.0.s8.s32 v6  }
0x6c: {  	v0 =	vmax.f32 v0, v4;
	v4 =	vimm.s32 $0xDCFE98BA  }
0x6d: {  	v2 =	vcombine.low v3, v2;
	v3 =	vunpack.c.l.s4.s8 v4;
	v4 =	vimm.s32 $0x54761032  }
0x6e: {  	v0 =	vmax.f32 v0, v1;
	v1 =	vunpack.c.l.s4.s8 v4  }
0x6f: {  	[bflag:$0x0] =	sbarrier.arrive $0xFFFF;
	v5 =	vimm.s32 $0x32107654;
	v4 =	vimm.s32 $0xBA98FEDC;
	v2 =	vperm.xlane v0, v2  }
0x70: {  	v6 =	vld [tilespmem:$0xC000];
	v3 =	vunpack.c.0.s8.s32 v3;
	v4 =	vunpack.c.l.s4.s8 v4;
	v1 =	vunpack.c.0.s8.s32 v1  }
0x71: {  	v0 =	vmax.f32 v0, v2;
	v2 =	vunpack.c.l.s4.s8 v5  }
0x72: {  	v1 =	vcombine.low v1, v3;
	v3 =	vunpack.c.0.s8.s32 v4;
	v4 =	vimm.s32 $0xFEDCBA98  }
0x73: {  	v5 =	vimm.s32 $0x76543210;
	v2 =	vunpack.c.0.s8.s32 v2;
	v4 =	vunpack.c.l.s4.s8 v4  }
0x74: {  	v5 =	vunpack.c.l.s4.s8 v5;
	v1 =	vperm.xlane v0, v1  }
0x75: {  	v2 =	vcombine.low v2, v3;
	v3 =	vunpack.c.0.s8.s32 v4;
	v4 =	vadd.f32 $9.999999970e-07, v6  }
0x76: {  	v0 =	vmax.f32 v0, v1;
	v1 =	vunpack.c.0.s8.s32 v5  }
0x77: {  	v2 =	vperm.xlane v0, v2;
	v3 =	vand.u32 $0xF, v3;
	(erf) = vrcp.f32 v4  }
0x78: {  	v1 =	vcombine.low v3, v1  }
0x79: {  	v0 =	vmax.f32 v0, v2  }
0x7a: {  	v1 =	vperm.xlane v0, v1;
	_ =	sdelay $0x1  }
0x7b: {  	v0 =	vmax.f32 v0, v1  }
0x7c: {  	(erf) = vrcp.f32 v0;
	_ =	sdelay $0x2  }
0x7d: {  	v0 =	vpop (erf)  }
0x7e: {  	s29 =	simm.s32 $0x0;
	[tilespmem:$0xC000] =	vst v0  }
0x7f: {  	v4 =	vld [tilespmem:s29+$0x8070];
	_ =	sdelay $0x1  }
0x80: {  	v6 =	vld [tilespmem:s29+$0x8060];
	_ =	sdelay $0x1  }
0x81: {  	v2 =	vpop (erf)  }
0x82: {  	v0 =	vmul.f32 v4, v2  }
0x83: {  	v15 =	vld [tilespmem:s29+$0x8050]  }
0x84: {  	v11 =	vld [tilespmem:s29+$0x8040];
	v1 =	vmul.f32 v6, v2;
	v0 =	vmul.f32 $9.000000000e+00, v0  }
0x85: {  	v14 =	vld [tilespmem:s29+$0x8010]  }
0x86: {  	s30 =	simm.s32 $0x80;
	v19 =	vld [tilespmem:s29+$0x8000];
	v1 =	vmul.f32 $9.000000000e+00, v1;
	v0 =	vtrunc.f32 v0  }
0x87: {  	v17 =	vld [tilespmem:s30+$0x8060];
	v0 =	vcvt.f32.s32 v0  }
0x88: {  	v1 =	vtrunc.f32 v1  }
0x89: {  	v3 =	vmul.f32 v11, v2;
	v1 =	vcvt.f32.s32 v1;
	vm0 =	vgt.s32 v0, $0x0  }
0x8a: {  	v5 =	vmul.f32 v15, v2;
	v7 =	vmul.f32 v14, v2;
	v0 =	vnsel vm0, $0x0, v0  }
0x8b: {  	v21 =	vld [tilespmem:s29+$0x8030];
	v8 =	vmul.f32 v19, v2;
	vm0 =	vgt.s32 v1, $0x0;
	v0 =	vmin.u32 v0, $0x9  }
0x8c: {  	v22 =	vmul.f32 v17, v2;
	v3 =	vmul.f32 $9.000000000e+00, v3;
	v1 =	vnsel vm0, $0x0, v1  }
0x8d: {  	v20 =	vld [tilespmem:s29+$0x8020];
	v5 =	vmul.f32 $9.000000000e+00, v5;
	v7 =	vmul.f32 $9.000000000e+00, v7;
	v10 =	vmin.u32 v1, $0x9  }
0x8e: {  	v8 =	vmul.f32 $9.000000000e+00, v8;
	v3 =	vtrunc.f32 v3  }
0x8f: {  	s5 =	simm.s32 $0xC000;
	v22 =	vmul.f32 $9.000000000e+00, v22;
	v9 =	vcvt.f32.s32 v3  }
0x90: {  	v3 =	vmul.f32 v21, v2;
	v1 =	vtrunc.f32 v8;
	v0 =	vld.idx.msk [tilespmem:v0+s5+$0x0], $0xffff  }
0x91: {  	v7 =	vtrunc.f32 v7;
	v18 =	vcvt.f32.s32 v1;
	v1 =	vld [tilespmem:s30+$0x8040]  }
0x92: {  	v12 =	vmul.f32 $9.000000000e+00, v3;
	v8 =	vmul.f32 v20, v2;
	v10 =	vld.idx.msk [tilespmem:v10+s5+$0x0], $0xffff  }
0x93: {  	v13 =	vld [tilespmem:s30+$0x8070];
	v5 =	vtrunc.f32 v5;
	v7 =	vcvt.f32.s32 v7  }
0x94: {  	v3 =	vimm.f32 $0.0e+00;
	v12 =	vtrunc.f32 v12;
	v8 =	vmul.f32 $9.000000000e+00, v8  }
0x95: {  	vm0 =	vgt.s32 v9, $0x0;
	v12 =	vcvt.f32.s32 v12;
	v16 =	vmul.f32 v0, v4  }
0x96: {  	v9 =	vnsel vm0, $0x0, v9;
	v8 =	vtrunc.f32 v8;
	v25 =	vmul.f32 v1, v2;
	v0 =	vld [tilespmem:s30+$0x8050]  }
0x97: {  	vm0 =	vgt.s32 v7, $0x0;
	v10 =	vmul.f32 v10, v6;
	v4 =	vmul.f32 v16, v4  }
0x98: {  	v9 =	vmin.u32 v9, $0x9;
	v16 =	vcvt.f32.s32 v5;
	v5 =	vmul.f32 v13, v2  }
0x99: {  	v7 =	vnsel vm0, $0x0, v7;
	v30 =	vcvt.f32.s32 v8;
	v6 =	vmul.f32 v10, v6  }
0x9a: {  	v7 =	vmin.u32 v7, $0x9;
	v10 =	vmul.f32 $9.000000000e+00, v25;
	v23 =	vmul.f32 $9.000000000e+00, v5;
	v5 =	vld [tilespmem:s30+$0x8010]  }
0x9b: {  	vm1 =	vgt.s32 v16, $0x0;
	v26 =	vadd.f32 v4, v3;
	v4 =	vld [tilespmem:s30+$0x8000];
	v24 =	vmul.f32 v0, v2  }
0x9c: {  	v10 =	vtrunc.f32 v10;
	v27 =	vadd.f32 v6, v3;
	v6 =	vld [tilespmem:s30+$0x8030];
	v23 =	vtrunc.f32 v23  }
0x9d: {  	v16 =	vnsel vm1, $0x0, v16;
	v28 =	vcvt.f32.s32 v10;
	v10 =	vtrunc.f32 v22  }
0x9e: {  	v9 =	vld.idx.msk [tilespmem:v9+s5+$0x0], $0xffff;
	vm1 =	vgt.s32 v12, $0x0;
	v23 =	vcvt.f32.s32 v23;
	v24 =	vmul.f32 $9.000000000e+00, v24  }
0x9f: {  	v7 =	vld.idx.msk [tilespmem:v7+s5+$0x0], $0xffff;
	v16 =	vmin.u32 v16, $0x9;
	v22 =	vcvt.f32.s32 v10;
	v25 =	vmul.f32 v5, v2  }
0xa0: {  	v10 =	vld [tilespmem:s30+$0x8020];
	vm0 =	vgt.s32 v23, $0x0;
	v29 =	vmul.f32 v4, v2;
	v24 =	vtrunc.f32 v24  }
0xa1: {  	v23 =	vnsel vm0, $0x0, v23;
	vm0 =	vgt.s32 v18, $0x0;
	v32 =	vmul.f32 v6, v2  }
0xa2: {  	v24 =	vcvt.f32.s32 v24;
	v23 =	vmin.u32 v23, $0x9;
	v25 =	vmul.f32 $9.000000000e+00, v25  }
0xa3: {  	v18 =	vnsel vm0, $0x0, v18;
	vm0 =	vgt.s32 v22, $0x0;
	v29 =	vmul.f32 $9.000000000e+00, v29  }
0xa4: {  	v8 =	vnsel vm0, $0x0, v22;
	v22 =	vmul.f32 v7, v14;
	v7 =	vnsel vm1, $0x0, v12  }
0xa5: {  	s31 =	simm.s32 $0x100;
	v16 =	vld.idx.msk [tilespmem:v16+s5+$0x0], $0xffff;
	v33 =	vmul.f32 v10, v2;
	v12 =	vmul.f32 v9, v11;
	v31 =	vmin.u32 v8, $0x9  }
0xa6: {  	v32 =	vmul.f32 $9.000000000e+00, v32;
	v29 =	vtrunc.f32 v29;
	v34 =	vmin.u32 v7, $0x9;
	v8 =	vld [tilespmem:s31+$0x8070]  }
0xa7: {  	vm2 =	vgt.s32 v28, $0x0;
	v25 =	vtrunc.f32 v25;
	v11 =	vmul.f32 v12, v11;
	v23 =	vld.idx.msk [tilespmem:v23+s5+$0x0], $0xffff  }
0xa8: {  	v28 =	vnsel vm2, $0x0, v28;
	v7 =	vld [tilespmem:s31+$0x8060];
	v29 =	vcvt.f32.s32 v29;
	v33 =	vmul.f32 $9.000000000e+00, v33  }
0xa9: {  	v28 =	vmin.u32 v28, $0x9;
	v9 =	vld [tilespmem:s31+$0x8050];
	v25 =	vcvt.f32.s32 v25;
	v32 =	vtrunc.f32 v32  }
0xaa: {  	vm0 =	vgt.s32 v30, $0x0;
	v22 =	vmul.f32 v22, v14;
	v37 =	vcvt.f32.s32 v32;
	v31 =	vld.idx.msk [tilespmem:v31+s5+$0x0], $0xffff  }
0xab: {  	v18 =	vmin.u32 v18, $0x9;
	v16 =	vmul.f32 v16, v15;
	v36 =	vtrunc.f32 v33;
	v34 =	vld.idx.msk [tilespmem:v34+s5+$0x0], $0xffff  }
0xac: {  	v30 =	vnsel vm0, $0x0, v30;
	v12 =	vld [tilespmem:s31+$0x8040];
	v59 =	vmul.f32 v8, v2;
	v23 =	vmul.f32 v23, v13  }
0xad: {  	v30 =	vmin.u32 v30, $0x9;
	v35 =	vmul.f32 v7, v2;
	v15 =	vmul.f32 v16, v15;
	v16 =	vld [tilespmem:s31+$0x8010]  }
0xae: {  	vm0 =	vgt.s32 v25, $0x0;
	v32 =	vmul.f32 $9.000000000e+00, v59;
	v23 =	vmul.f32 v23, v13  }
0xaf: {  	v14 =	vadd.f32 v15, v3;
	v13 =	vadd.f32 v11, v3;
	v31 =	vmul.f32 v31, v17  }
0xb0: {  	v34 =	vmul.f32 v34, v21;
	v11 =	vadd.f32 v23, v26;
	v23 =	vnsel vm0, $0x0, v25  }
0xb1: {  	v25 =	vmul.f32 v9, v2;
	vm0 =	vgt.s32 v24, $0x0;
	v26 =	vmul.f32 v12, v2  }
0xb2: {  	v15 =	vmul.f32 v31, v17;
	v17 =	vadd.f32 v22, v3;
	v22 =	vmul.f32 v16, v2  }
0xb3: {  	v38 =	vld.idx.msk [tilespmem:v30+s5+$0x0], $0xffff;
	v31 =	vtrunc.f32 v32;
	v24 =	vnsel vm0, $0x0, v24;
	v23 =	vmin.u32 v23, $0x9  }
0xb4: {  	v60 =	vld.idx.msk [tilespmem:v18+s5+$0x0], $0xffff;
	v31 =	vcvt.f32.s32 v31;
	v61 =	vmin.u32 v24, $0x9;
	v24 =	vmul.f32 $9.000000000e+00, v26  }
0xb5: {  	vm1 =	vgt.s32 v29, $0x0;
	v25 =	vmul.f32 $9.000000000e+00, v25;
	v30 =	vmul.f32 $9.000000000e+00, v22  }
0xb6: {  	v18 =	vld [tilespmem:s31+$0x8000];
	v15 =	vadd.f32 v15, v27;
	v22 =	vmul.f32 $9.000000000e+00, v35;
	v26 =	vtrunc.f32 v24  }
0xb7: {  	vm2 =	vgt.s32 v31, $0x0;
	v24 =	vtrunc.f32 v25;
	v25 =	vmul.f32 v34, v21  }
0xb8: {  	v27 =	vnsel vm2, $0x0, v31;
	v21 =	vtrunc.f32 v22;
	v22 =	vmul.f32 v38, v20  }
0xb9: {  	v31 =	vnsel vm1, $0x0, v29;
	v29 =	vmul.f32 v60, v19;
	v26 =	vcvt.f32.s32 v26;
	v62 =	vld.idx.msk [tilespmem:v23+s5+$0x0], $0xffff  }
0xba: {  	v27 =	vmin.u32 v27, $0x9;
	v21 =	vcvt.f32.s32 v21;
	v32 =	vmul.f32 v22, v20;
	v20 =	vld [tilespmem:s31+$0x8030]  }
0xbb: {  	v63 =	vmul.f32 v18, v2;
	v34 =	vmul.f32 v29, v19;
	v19 =	vld [tilespmem:s31+$0x8020];
	vm1 =	vgt.s32 v26, $0x0  }
0xbc: {  	v36 =	vcvt.f32.s32 v36;
	v33 =	vld.idx.msk [tilespmem:v61+s5+$0x0], $0xffff;
	v23 =	vnsel vm1, $0x0, v26;
	vm1 =	vgt.s32 v21, $0x0  }
0xbd: {  	vm0 =	vgt.s32 v37, $0x0;
	v22 =	vmul.f32 $9.000000000e+00, v63;
	v26 =	vld.idx.msk [tilespmem:v28+s5+$0x0], $0xffff;
	v21 =	vnsel vm1, $0x0, v21  }
0xbe: {  	v23 =	vmin.u32 v23, $0x9;
	v29 =	vmin.u32 v21, $0x9;
	v21 =	vnsel vm0, $0x0, v37  }
0xbf: {  	v37 =	vtrunc.f32 v22;
	vm0 =	vgt.s32 v36, $0x0;
	v27 =	vld.idx.msk [tilespmem:v27+s5+$0x0], $0xffff;
	v22 =	vimm.f32 $0.0e+00  }
0xc0: {  	s6 =	simm.s32 $0x600;
	v28 =	vmul.f32 v62, v5;
	v35 =	vmin.u32 v21, $0x9;
	v21 =	vimm.f32 $0.0e+00  }
.LBB2_3:
0xc1: {  	s7 =	sshra.s32 s6, $0x2;
	p0 =	sne.s32 s6, $0xFE00;
	s6 =	sadd.s32 $0x200, s6;
	v38 =	vmul.f32 v20, v2;
	v33 =	vmul.f32 v33, v0;
	v3 =	vadd.f32 v34, v3  }
0xc2: {  	v36 =	vnsel vm0, $0x0, v36;
	v26 =	vmul.f32 v26, v1;
	v34 =	vld [tilespmem:s7+$0x8070];
	v39 =	vmul.f32 v19, v2  }
0xc3: {  	v30 =	vtrunc.f32 v30;
	v22 =	vadd.f32 v32, v22;
	v40 =	vld [tilespmem:s7+$0x8060];
	v38 =	vmul.f32 $9.000000000e+00, v38  }
0xc4: {  	v21 =	vadd.f32 v25, v21;
	v27 =	vmul.f32 v27, v8;
	v26 =	vmul.f32 v26, v1;
	v1 =	vmovc v12;
	v32 =	vld [tilespmem:s7+$0x8050]  }
0xc5: {  	v37 =	vcvt.f32.s32 v37;
	v36 =	vmin.u32 v36, $0x9;
	v25 =	vmul.f32 $9.000000000e+00, v39;
	v12 =	vld [tilespmem:s7+$0x8040]  }
0xc6: {  	v31 =	vmin.u32 v31, $0x9;
	v30 =	vcvt.f32.s32 v30;
	v27 =	vmul.f32 v27, v8;
	v29 =	vld.idx.msk [tilespmem:v29+s5+$0x0], $0xffff  }
0xc7: {  	v24 =	vcvt.f32.s32 v24;
	v38 =	vtrunc.f32 v38;
	v13 =	vadd.f32 v26, v13;
	v35 =	vld.idx.msk [tilespmem:v35+s5+$0x0], $0xffff;
	v8 =	vmovc v34  }
0xc8: {  	vm0 =	vgt.s32 v30, $0x0;
	v11 =	vadd.f32 v27, v11;
	v34 =	vmul.f32 v40, v2  }
0xc9: {  	v27 =	vnsel vm0, $0x0, v30;
	vm0 =	vgt.s32 v24, $0x0;
	v30 =	vmul.f32 v33, v0;
	v0 =	vmovc v9;
	v26 =	vld [tilespmem:s7+$0x8010];
	v9 =	vmovc v32  }
0xca: {  	v38 =	vcvt.f32.s32 v38;
	v24 =	vnsel vm0, $0x0, v24;
	v32 =	vmul.f32 v9, v2  }
0xcb: {  	v39 =	vmul.f32 v8, v2;
	v27 =	vmin.u32 v27, $0x9;
	v33 =	vmul.f32 v12, v2;
	v41 =	vld.idx.msk [tilespmem:v31+s5+$0x0], $0xffff  }
0xcc: {  	v28 =	vmul.f32 v28, v5;
	v14 =	vadd.f32 v30, v14;
	v29 =	vmul.f32 v29, v7;
	v36 =	vld.idx.msk [tilespmem:v36+s5+$0x0], $0xffff  }
0xcd: {  	v5 =	vmov v16;
	v30 =	vmul.f32 $9.000000000e+00, v39;
	v31 =	vmul.f32 v35, v6  }
0xce: {  	v17 =	vadd.f32 v28, v17;
	v35 =	vtrunc.f32 v25;
	v25 =	vmul.f32 v29, v7;
	v7 =	vmovc v40;
	v16 =	vmovc v26  }
0xcf: {  	vm0 =	vgt.s32 v38, $0x0;
	v26 =	vtrunc.f32 v30;
	v28 =	vmul.f32 v16, v2  }
0xd0: {  	v39 =	vmin.u32 v24, $0x9;
	v29 =	vcvt.f32.s32 v26;
	v15 =	vadd.f32 v25, v15  }
0xd1: {  	vm1 =	vgt.s32 v37, $0x0;
	v24 =	vmul.f32 $9.000000000e+00, v33;
	v25 =	vmul.f32 $9.000000000e+00, v32;
	v26 =	vld.idx.msk [tilespmem:v23+s5+$0x0], $0xffff  }
0xd2: {  	v30 =	vmul.f32 $9.000000000e+00, v28;
	v23 =	vmul.f32 $9.000000000e+00, v34;
	vm2 =	vgt.s32 v29, $0x0;
	v40 =	vld [tilespmem:s7+$0x8000]  }
0xd3: {  	v28 =	vtrunc.f32 v24;
	v24 =	vtrunc.f32 v25;
	v25 =	vnsel vm2, $0x0, v29  }
0xd4: {  	v28 =	vcvt.f32.s32 v28;
	v29 =	vmin.u32 v25, $0x9;
	v25 =	vmul.f32 v31, v6;
	v6 =	vmovc v20;
	v42 =	vld.idx.msk [tilespmem:v27+s5+$0x0], $0xffff  }
0xd5: {  	v20 =	vtrunc.f32 v23;
	v31 =	vnsel vm1, $0x0, v37;
	v23 =	vmul.f32 v36, v10;
	v33 =	vld.idx.msk [tilespmem:v39+s5+$0x0], $0xffff  }
0xd6: {  	v34 =	vmul.f32 v41, v4;
	vm1 =	vgt.s32 v28, $0x0;
	v27 =	vcvt.f32.s32 v20  }
.Ltmp1:
0xd7: {  	v28 =	vnsel vm1, $0x0, v28;
	v32 =	vmul.f32 v23, v10;
	v10 =	vmovc v19;
	v37 =	vmul.f32 v40, v2;
	v20 =	vld [tilespmem:s7+$0x8030];
	(pc) =	sbr.rel @p0 .LBB2_3-.Ltmp1, $4  }
0xd8: {  	v36 =	vcvt.f32.s32 v35;
	v23 =	vmin.u32 v28, $0x9;
	vm1 =	vgt.s32 v27, $0x0;
	v19 =	vld [tilespmem:s7+$0x8020]  }
0xd9: {  	v34 =	vmul.f32 v34, v4;
	v4 =	vmovc v18;
	v28 =	vnsel vm1, $0x0, v27;
	v18 =	vmovc v40;
	v35 =	vmul.f32 $9.000000000e+00, v37;
	v27 =	vld.idx.msk [tilespmem:v29+s5+$0x0], $0xffff  }
0xda: {  	v38 =	vnsel vm0, $0x0, v38;
	v29 =	vmin.u32 v28, $0x9;
	v28 =	vmul.f32 v42, v5  }
0xdb: {  	vm0 =	vgt.s32 v36, $0x0;
	v37 =	vtrunc.f32 v35;
	v35 =	vmin.u32 v38, $0x9  }
0xdc: {  	_ = 	snop  }
0xdd: {  	v47 =	vmul.f32 v19, v2  }
0xde: {  	v38 =	vmul.f32 v20, v2;
	v30 =	vtrunc.f32 v30  }
0xdf: {  	v36 =	vnsel vm0, $0x0, v36;
	v37 =	vcvt.f32.s32 v37;
	v2 =	vmul.f32 $9.000000000e+00, v47  }
0xe0: {  	v31 =	vmin.u32 v31, $0x9;
	v30 =	vcvt.f32.s32 v30;
	v36 =	vmin.u32 v36, $0x9  }
0xe1: {  	v38 =	vmul.f32 $9.000000000e+00, v38;
	vm12 =	vgt.s32 v37, $0x0;
	v2 =	vtrunc.f32 v2  }
0xe2: {  	vm11 =	vgt.s32 v30, $0x0;
	v37 =	vnsel vm12, $0x0, v37;
	v2 =	vcvt.f32.s32 v2  }
0xe3: {  	v38 =	vtrunc.f32 v38;
	v30 =	vnsel vm11, $0x0, v30;
	v37 =	vmin.u32 v37, $0x9  }
0xe4: {  	v38 =	vcvt.f32.s32 v38;
	v30 =	vmin.u32 v30, $0x9;
	vm13 =	vgt.s32 v2, $0x0  }
0xe5: {  	v35 =	vld.idx.msk [tilespmem:v35+s5+$0x0], $0xffff;
	v2 =	vnsel vm13, $0x0, v2  }
0xe6: {  	v31 =	vld.idx.msk [tilespmem:v31+s5+$0x0], $0xffff;
	vm14 =	vgt.s32 v38, $0x0;
	v2 =	vmin.u32 v2, $0x9  }
0xe7: {  	v24 =	vcvt.f32.s32 v24;
	v36 =	vld.idx.msk [tilespmem:v36+s5+$0x0], $0xffff;
	v38 =	vnsel vm14, $0x0, v38  }
0xe8: {  	v38 =	vmin.u32 v38, $0x9;
	v37 =	vld.idx.msk [tilespmem:v37+s5+$0x0], $0xffff  }
0xe9: {  	vm15 =	vgt.s32 v24, $0x0;
	v30 =	vld.idx.msk [tilespmem:v30+s5+$0x0], $0xffff  }
0xea: {  	v33 =	vmul.f32 v33, v0;
	v24 =	vnsel vm15, $0x0, v24  }
0xeb: {  	v26 =	vmul.f32 v26, v1;
	v24 =	vmin.u32 v24, $0x9;
	v31 =	vmul.f32 v31, v4;
	v2 =	vld.idx.msk [tilespmem:v2+s5+$0x0], $0xffff  }
0xec: {  	v5 =	vmul.f32 v28, v5;
	v3 =	vadd.f32 v34, v3;
	v50 =	vmul.f32 v36, v10  }
0xed: {  	v22 =	vadd.f32 v32, v22;
	v4 =	vmul.f32 v31, v4;
	v49 =	vld.idx.msk [tilespmem:v38+s5+$0x0], $0xffff;
	v51 =	vmul.f32 v37, v18  }
0xee: {  	v21 =	vadd.f32 v25, v21;
	v23 =	vld.idx.msk [tilespmem:v23+s5+$0x0], $0xffff;
	v48 =	vmul.f32 v35, v6;
	v30 =	vmul.f32 v30, v16  }
0xef: {  	v10 =	vmul.f32 v50, v10;
	v3 =	vadd.f32 v4, v3;
	v53 =	vmul.f32 v51, v18  }
0xf0: {  	v5 =	vadd.f32 v5, v17;
	v52 =	vld.idx.msk [tilespmem:v24+s5+$0x0], $0xffff;
	v16 =	vmul.f32 v30, v16;
	v2 =	vmul.f32 v2, v19  }
0xf1: {  	v6 =	vmul.f32 v48, v6;
	v10 =	vadd.f32 v10, v22;
	v3 =	vadd.f32 v53, v3  }
0xf2: {  	v55 =	vld.idx.msk [tilespmem:v29+s5+$0x0], $0xffff;
	v54 =	vmul.f32 v49, v20;
	v5 =	vadd.f32 v16, v5;
	v2 =	vmul.f32 v2, v19  }
0xf3: {  	v1 =	vmul.f32 v26, v1;
	v56 =	vmul.f32 v23, v12;
	v6 =	vadd.f32 v6, v21  }
0xf4: {  	v57 =	vmul.f32 v54, v20;
	v3 =	vadd.f32 v5, v3;
	v2 =	vadd.f32 v2, v10  }
0xf5: {  	v0 =	vmul.f32 v33, v0;
	v1 =	vadd.f32 v1, v13;
	v58 =	vmul.f32 v52, v9  }
0xf6: {  	v4 =	vmul.f32 v56, v12;
	v6 =	vadd.f32 v57, v6;
	v2 =	vadd.f32 v2, v3  }
0xf7: {  	v0 =	vadd.f32 v0, v14;
	v59 =	vmul.f32 v55, v7  }
0xf8: {  	v1 =	vadd.f32 v4, v1;
	v60 =	vmul.f32 v58, v9;
	v2 =	vadd.f32 v6, v2  }
0xf9: {  	v61 =	vmul.f32 v27, v8  }
0xfa: {  	v0 =	vadd.f32 v60, v0;
	v3 =	vmul.f32 v59, v7;
	v1 =	vadd.f32 v1, v2;
	_ =	sdelay $0x1  }
0xfb: {  	v62 =	vmul.f32 v61, v8;
	v3 =	vadd.f32 v3, v15;
	v0 =	vadd.f32 v0, v1;
	_ =	sdelay $0x1  }
0xfc: {  	v63 =	vadd.f32 v62, v11;
	v0 =	vadd.f32 v3, v0;
	_ =	sdelay $0x1  }
0xfd: {  	v0 =	vadd.f32 v63, v0;
	_ =	sdelay $0x1  }
0xfe: {  	s6 =	simm.s32 $0xC080;
	s5 =	simm.s32 $0x0;
	[tilespmem:$0xC080] =	vst v0  }
0xff: {  	[hbm4b:s4+s5] =	stream.linear.scatter [tilespmem:s6], [sflag:$0x1], $0x80, $0x38;
	[tilespmem:$0xC980] =	vst v63  }
0x100: {  	s4 =	simm.s32 $0x1  }
0x101: {  	_ =	swait.ge [sflag:s4], $0x80  }
0x102: {  	[sflag:s4] =	ssyncset.done $0x0  }
0x103: {  	[sflag:s4] =	ssyncadd.s32 $0xFFFFFF80  }
0x104: {  	p0 =	sne.s32 s2, $0x0;
	[bflag:$0x0] =	sbarrier.arrive $0xFFFF  }
0x105: {  	_ =	sfence.sel @p0 $0x180000  }
0x106: {  	[bflag:$0x0] =	sbarrier.arrive @p0 $0xFFFF  }
0x107: {  	_ =	strace @p0 $0x90000047  }
0x108: {  	[bflag:$0x2] =	sbarrier.arrive @p0 $0xFFFF  }
0x109: {  	_ =	shalt @p0  }
.LBB2_5:
0x10a: {  	s2 =	simm.s32 $0xC100  }
0x10b: {  	[tilespmem:s2], [sflag:$0x1] =	stream.linear.gather [hbm4b:s3+s5], $0x800, $0x38;
	[tilespmem:$0xC980] =	vst v63  }
0x10c: {  	_ =	swait.ge [sflag:s4], $0x800  }
0x10d: {  	[sflag:s4] =	ssyncset.done $0x0  }
0x10e: {  	[sflag:s4] =	ssyncadd.s32 $0xFFFFF800  }
0x10f: {  	v0 =	vld [tilespmem:$0xC100];
	_ =	sdelay $0x1  }
0x110: {  	v1 =	vld [tilespmem:$0xC180];
	_ =	sdelay $0x1  }
0x111: {  	v2 =	vld [tilespmem:$0xC200]  }
0x112: {  	v0 =	vadd.f32 $0.0e+00, v0  }
0x113: {  	v3 =	vld [tilespmem:$0xC280]  }
0x114: {  	v0 =	vadd.f32 v1, v0  }
0x115: {  	v40 =	vld [tilespmem:$0xC300]  }
0x116: {  	v0 =	vadd.f32 v2, v0  }
0x117: {  	v41 =	vld [tilespmem:$0xC380]  }
0x118: {  	v0 =	vadd.f32 v3, v0  }
0x119: {  	v42 =	vld [tilespmem:$0xC400]  }
0x11a: {  	v0 =	vadd.f32 v40, v0  }
0x11b: {  	v43 =	vld [tilespmem:$0xC480]  }
0x11c: {  	v0 =	vadd.f32 v41, v0  }
0x11d: {  	v44 =	vld [tilespmem:$0xC500]  }
0x11e: {  	v0 =	vadd.f32 v42, v0  }
0x11f: {  	v45 =	vld [tilespmem:$0xC580]  }
0x120: {  	v0 =	vadd.f32 v43, v0  }
0x121: {  	v46 =	vld [tilespmem:$0xC600]  }
0x122: {  	v0 =	vadd.f32 v44, v0  }
0x123: {  	v47 =	vld [tilespmem:$0xC680]  }
0x124: {  	v0 =	vadd.f32 v45, v0  }
0x125: {  	v48 =	vld [tilespmem:$0xC700]  }
0x126: {  	v0 =	vadd.f32 v46, v0  }
0x127: {  	v49 =	vld [tilespmem:$0xC780]  }
0x128: {  	v0 =	vadd.f32 v47, v0  }
0x129: {  	v50 =	vld [tilespmem:$0xC800]  }
0x12a: {  	v0 =	vadd.f32 v48, v0  }
0x12b: {  	v52 =	vimm.s32 $0xEFCDAB89;
	v4 =	vimm.s32 $0x67452301;
	v51 =	vld [tilespmem:$0xC880]  }
0x12c: {  	v4 =	vunpack.c.l.s4.s8 v4;
	v1 =	vunpack.c.l.s4.s8 v52;
	v0 =	vadd.f32 v49, v0  }
0x12d: {  	v54 =	vimm.s32 $0xDCFE98BA;
	v55 =	vimm.s32 $0x54761032  }
0x12e: {  	v53 =	vunpack.c.0.s8.s32 v4;
	v1 =	vunpack.c.0.s8.s32 v1;
	v0 =	vadd.f32 v50, v0  }
0x12f: {  	v2 =	vunpack.c.l.s4.s8 v54;
	v3 =	vunpack.c.l.s4.s8 v55  }
0x130: {  	v1 =	vcombine.low v53, v1;
	v0 =	vadd.f32 v51, v0  }
0x131: {  	v2 =	vunpack.c.0.s8.s32 v2;
	v3 =	vunpack.c.0.s8.s32 v3  }
0x132: {  	v1 =	vperm.xlane v0, v1  }
0x133: {  	v57 =	vimm.s32 $0xBA98FEDC;
	v58 =	vimm.s32 $0x32107654;
	v56 =	vcombine.low v3, v2  }
0x134: {  	v2 =	vunpack.c.l.s4.s8 v57;
	v3 =	vunpack.c.l.s4.s8 v58;
	v0 =	vadd.f32 v1, v0  }
0x135: {  	v59 =	vimm.s32 $0xFEDCBA98  }
0x136: {  	v2 =	vunpack.c.0.s8.s32 v2;
	v3 =	vunpack.c.0.s8.s32 v3;
	v1 =	vperm.xlane v0, v56  }
0x137: {  	v5 =	vimm.s32 $0x76543210;
	v4 =	vunpack.c.l.s4.s8 v59  }
0x138: {  	v61 =	vunpack.c.l.s4.s8 v5;
	v60 =	vcombine.low v3, v2;
	v0 =	vadd.f32 v1, v0  }
0x139: {  	v62 =	vunpack.c.0.s8.s32 v4  }
0x13a: {  	v2 =	vunpack.c.0.s8.s32 v61;
	v1 =	vperm.xlane v0, v60  }
0x13b: {  	v3 =	vand.u32 $0xF, v62  }
0x13c: {  	v63 =	vcombine.low v3, v2;
	v0 =	vadd.f32 v1, v0;
	_ =	sdelay $0x1  }
0x13d: {  	v1 =	vperm.xlane v0, v63;
	_ =	sdelay $0x1  }
0x13e: {  	v0 =	vadd.f32 v1, v0;
	_ =	sdelay $0x1  }
0x13f: {  	v0 =	vmul.f32 $3.814697270e-06, v0;
	_ =	sdelay $0x1  }
0x140: {  	s31 =	simm.s32 $0xC900;
	[tilespmem:$0xC900] =	vst v0  }
0x141: {  	[hbm4b:s1+s5] =	stream.linear.scatter [tilespmem:s31], [sflag:$0x1], $0x80, $0x38;
	[tilespmem:$0xC980] =	vst v63  }
0x142: {  	_ =	swait.ge [sflag:s4], $0x80  }
0x143: {  	[sflag:s4] =	ssyncset.done $0x0  }
0x144: {  	[sflag:s4] =	ssyncadd.s32 $0xFFFFFF80  }
0x145: {  	_ =	sfence.sel $0x180000  }
0x146: {  	[bflag:$0x0] =	sbarrier.arrive $0xFFFF  }
0x147: {  	_ =	strace $0x90000047  }
0x148: {  	s0 =	sadd.s32 $0x100000, s0;
	[bflag:$0x2] =	sbarrier.arrive $0xFFFF  }
0x149: {  	[sflag:s0] =	ssyncadd.tile.s32 $0x1;
	_ =	shalt  }
.Lfunc_end2:
_tile_overlayer_lowered:
.L_overlay_start_2:
0x14a: {  	(tag) =	ssettag $0x2  }
0x14b: {  	s0 =	rddreg [dreg:$0x0];
	s2 =	stileid.u32  }
0x14c: {  	s1 =	rddreg [dreg:$0x1];
	p0 =	sne.s32 s2, $0x0  }
0x14d: {  	s3 =	rddreg [dreg:$0x2];
	[bflag:$0x3] =	sbarrier.arrive $0xFFFF;
	s2 =	simm.s32 @!p0 $0x1C01  }
0x14e: {  	[timem:s3], [sflag:s2] =	dma.local @!p0 [hbm:s0], s1  }
0x14f: {  	s0 =	simm.s32 @!p0 $0x1  }
0x150: {  	_ =	swait.ge @!p0 [sflag:s0], s1  }
0x151: {  	s1 =	ssub.s32 @!p0 $0x0, s1;
	[sflag:s0] =	ssyncset.done @!p0 $0x0  }
0x152: {  	[sflag:s0] =	ssyncadd.s32 @!p0 s1  }
0x153: {  	[bflag:$0x3] =	sbarrier.arrive $0xFFFF  }
0x154: {  	_ =	shalt  }

</sc_bundles>
